<compile_context>
chip_gen: v7x
topology: tpu7x:2x2x1
jax: 0.10.2.dev20260603
libtpu: 0.0.44.dev20260713+nightly
codegen_flags: <defaults>
</compile_context>

<pallas_src>
import functools

import jax
import jax.numpy as jnp
from jax import lax
from jax.experimental import pallas as pl
from jax.experimental.pallas import tpu as pltpu
from jax.experimental.pallas import tpu_sc as plsc

C = 1024
E = 8
HID = 4096
N = 4096
CAP = 640
PAD = 768
TT = 512
NT = N // TT
TH = 2048
NH = HID // TH
SUBS = ((0, 256), (256, 256), (512, 128))

CHUNK = 64
NW = 32
PER_W = N // NW
GW = 128



def _router_body(x_ref, wr_ref, br_ref,
                 dst_ref, gdst_ref, val_ref, cnt_ref, aux_ref,
                 cnt_acc, imp_acc, tril_s):
    t = pl.program_id(0)

    @pl.when(t == 0)
    def _():
        cnt_acc[...] = jnp.zeros_like(cnt_acc)
        imp_acc[...] = jnp.zeros_like(imp_acc)
        ri = lax.broadcasted_iota(jnp.int32, (TT, TT), 0)
        ci = lax.broadcasted_iota(jnp.int32, (TT, TT), 1)
        tril_s[...] = (ri > ci).astype(jnp.float32)

    logits = jnp.dot(x_ref[...], wr_ref[...],
                     preferred_element_type=jnp.float32) + br_ref[...]
    m = jnp.max(logits, axis=1, keepdims=True)
    ex = jnp.exp(logits - m)
    probs = ex / jnp.sum(ex, axis=1, keepdims=True)
    pmax = jnp.max(probs, axis=1, keepdims=True)
    eids = lax.broadcasted_iota(jnp.int32, (TT, E), 1)
    idx = jnp.min(jnp.where(probs == pmax, eids, E), axis=1)
    mask = (eids == idx[:, None]).astype(jnp.float32)

    prev = jnp.dot(tril_s[...], mask,
                   preferred_element_type=jnp.float32) + cnt_acc[...]
    pos = jnp.sum(prev * mask, axis=1).astype(jnp.int32)

    cnt_acc[...] = cnt_acc[...] + jnp.sum(mask, axis=0, keepdims=True)
    imp_acc[...] = imp_acc[...] + jnp.sum(probs, axis=0, keepdims=True)

    kept = pos < CAP
    dst_ref[...] = (idx * PAD + jnp.where(kept, pos, CAP)).reshape(1, 1, TT)
    gdst_ref[...] = (idx * PAD + jnp.where(kept, pos, CAP + 1)).reshape(1, 1, TT)
    val_ref[...] = jnp.broadcast_to(pmax, (TT, GW))

    @pl.when(t == NT - 1)
    def _():
        cnt_k = jnp.minimum(cnt_acc[...], float(CAP))
        cnt_ref[...] = cnt_k.astype(jnp.int32)
        aux = jnp.sum((imp_acc[...] / N) * (cnt_k / N)) * E
        aux_ref[...] = aux.reshape(1, 1)


def _router(x_flat, Wr, br2):
    return pl.pallas_call(
        _router_body,
        grid=(NT,),
        in_specs=[
            pl.BlockSpec((TT, C), lambda t: (t, 0)),
            pl.BlockSpec((C, E), lambda t: (0, 0)),
            pl.BlockSpec((1, E), lambda t: (0, 0)),
        ],
        out_specs=[
            pl.BlockSpec((1, 1, TT), lambda t: (t, 0, 0)),
            pl.BlockSpec((1, 1, TT), lambda t: (t, 0, 0)),
            pl.BlockSpec((TT, GW), lambda t: (t, 0)),
            pl.BlockSpec((1, E), lambda t: (0, 0)),
            pl.BlockSpec((1, 1), lambda t: (0, 0)),
        ],
        out_shape=[
            jax.ShapeDtypeStruct((NT, 1, TT), jnp.int32),
            jax.ShapeDtypeStruct((NT, 1, TT), jnp.int32),
            jax.ShapeDtypeStruct((N, GW), jnp.float32),
            jax.ShapeDtypeStruct((1, E), jnp.int32),
            jax.ShapeDtypeStruct((1, 1), jnp.float32),
        ],
        scratch_shapes=[
            pltpu.VMEM((1, E), jnp.float32),
            pltpu.VMEM((1, E), jnp.float32),
            pltpu.VMEM((TT, TT), jnp.float32),
        ],
        compiler_params=pltpu.CompilerParams(
            dimension_semantics=("arbitrary",)),
    )(x_flat, Wr, br2)



@functools.lru_cache(maxsize=None)
def _dispatch_kernel():
    mesh = plsc.VectorSubcoreMesh(core_axis_name="c", subcore_axis_name="s")

    @functools.partial(
        pl.kernel,
        out_type=[
            jax.ShapeDtypeStruct((E * PAD, C), jnp.float32),
            jax.ShapeDtypeStruct((E * PAD, GW), jnp.float32),
        ],
        mesh=mesh,
        scratch_types=[
            pltpu.VMEM((CHUNK,), jnp.int32),
            pltpu.VMEM((CHUNK, C), jnp.float32),
            pltpu.VMEM((CHUNK, GW), jnp.float32),
            pltpu.SemaphoreType.DMA,
            pltpu.SemaphoreType.DMA,
        ],
    )
    def dispatch(x_hbm, val_hbm, dst_hbm, buf_hbm, gate_hbm,
                 idx_v, rows_v, gv_v, sem, sem2):
        wid = lax.axis_index("s") * 2 + lax.axis_index("c")
        for cch in range(PER_W // CHUNK):
            base = wid * PER_W + cch * CHUNK
            pltpu.sync_copy(dst_hbm.at[pl.ds(base, CHUNK)], idx_v)
            pltpu.sync_copy(x_hbm.at[pl.ds(base, CHUNK)], rows_v)
            pltpu.sync_copy(val_hbm.at[pl.ds(base, CHUNK)], gv_v)
            row_cp = pltpu.async_copy(rows_v, buf_hbm.at[idx_v], sem)
            gate_cp = pltpu.async_copy(gv_v, gate_hbm.at[idx_v], sem2)
            row_cp.wait()
            gate_cp.wait()

    return dispatch


def _dispatch(x_flat, valrep, dst):
    return _dispatch_kernel()(x_flat, valrep, dst)



def _ffn_body(cnt_ref, buf_ref, w1_ref, b1_ref, w2_ref, b2_ref, gate_ref,
              out_ref, xs_bf):
    e = pl.program_id(0)
    h = pl.program_id(1)
    cnt = cnt_ref[0, e]

    @pl.when(h == 0)
    def _():
        out_ref[0, CAP:PAD, :] = jnp.zeros((PAD - CAP, C), jnp.float32)
        xs_bf[...] = buf_ref[0].astype(jnp.bfloat16)

    w1 = w1_ref[0].astype(jnp.bfloat16)
    w2 = w2_ref[0].astype(jnp.bfloat16)
    for st, sz in SUBS:
        @pl.when(st < cnt)
        def _():
            xs = xs_bf[st:st + sz, :]
            hs = jnp.dot(xs, w1, preferred_element_type=jnp.float32)
            hs = jnp.maximum(hs + b1_ref[0], 0.0).astype(jnp.bfloat16)
            contrib = jnp.dot(hs, w2, preferred_element_type=jnp.float32)

            @pl.when(h == 0)
            def _():
                out_ref[0, st:st + sz, :] = contrib

            @pl.when(h > 0)
            def _():
                g = gate_ref[0, st:st + sz, 0:1]
                out_ref[0, st:st + sz, :] = (
                    out_ref[0, st:st + sz, :] + contrib + b2_ref[0]) * g


def _ffn(cnt, buf, W1, b1, W2, b2, gate):
    return pl.pallas_call(
        _ffn_body,
        grid=(E, NH),
        in_specs=[
            pl.BlockSpec(memory_space=pltpu.SMEM),
            pl.BlockSpec((1, PAD, C), lambda e, h: (e, 0, 0)),
            pl.BlockSpec((1, C, TH), lambda e, h: (e, 0, h)),
            pl.BlockSpec((1, 1, TH), lambda e, h: (e * NH + h, 0, 0)),
            pl.BlockSpec((1, TH, C), lambda e, h: (e, h, 0)),
            pl.BlockSpec((1, 1, C), lambda e, h: (e, 0, 0)),
            pl.BlockSpec((1, PAD, GW), lambda e, h: (e, 0, 0)),
        ],
        out_specs=pl.BlockSpec((1, PAD, C), lambda e, h: (e, 0, 0)),
        out_shape=jax.ShapeDtypeStruct((E, PAD, C), jnp.float32),
        scratch_shapes=[pltpu.VMEM((PAD, C), jnp.bfloat16)],
        compiler_params=pltpu.CompilerParams(
            dimension_semantics=("arbitrary", "arbitrary"),
            vmem_limit_bytes=62 * 1024 * 1024),
    )(cnt, buf, W1, b1.reshape(E * NH, 1, TH), W2, b2.reshape(E, 1, C), gate)



@functools.lru_cache(maxsize=None)
def _gather_kernel():
    mesh = plsc.VectorSubcoreMesh(core_axis_name="c", subcore_axis_name="s")

    @functools.partial(
        pl.kernel,
        out_type=jax.ShapeDtypeStruct((N, C), jnp.float32),
        mesh=mesh,
        scratch_types=[
            pltpu.VMEM((CHUNK,), jnp.int32),
            pltpu.VMEM((CHUNK, C), jnp.float32),
            pltpu.SemaphoreType.DMA,
        ],
    )
    def gather(outbuf_hbm, gdst_hbm, raw_hbm, idx_v, rows_v, sem):
        wid = lax.axis_index("s") * 2 + lax.axis_index("c")
        for cch in range(PER_W // CHUNK):
            base = wid * PER_W + cch * CHUNK
            pltpu.sync_copy(gdst_hbm.at[pl.ds(base, CHUNK)], idx_v)
            pltpu.async_copy(outbuf_hbm.at[idx_v], rows_v, sem).wait()
            pltpu.sync_copy(rows_v, raw_hbm.at[pl.ds(base, CHUNK)])

    return gather


def _gather(outbuf, gdst):
    return _gather_kernel()(outbuf, gdst)



def kernel(x, Wr, br, W1, b1, W2, b2):
    B, T, _ = x.shape
    x_flat = x.reshape(N, C)
    dst3, gdst3, valrep, cnt, aux = _router(x_flat, Wr, br.reshape(1, E))
    dst = dst3.reshape(N)
    gdst = gdst3.reshape(N)
    buf, gate = _dispatch(x_flat, valrep, dst)
    outbuf = _ffn(cnt, buf.reshape(E, PAD, C), W1, b1, W2, b2,
                  gate.reshape(E, PAD, GW))
    out = _gather(outbuf.reshape(E * PAD, C), gdst).reshape(B, T, C)
    return out, aux[0, 0]

# --- scband reference (transcript-rebuilt; emitter-appended) ---
"""Pipeline reference for scband-mo-efeed-forward-30906584662340 (READ-ONLY COPY).

The authoritative reference and input builder live on the scoring server;
editing this copy changes nothing except your own understanding.
"""

import jax, jax.numpy as jnp
import numpy as np
import math

N_EMBD = 1024
NUM_EXPERTS = 8
CAPACITY_FACTOR = 1.25
HID = 4 * N_EMBD


def setup_inputs(seed: int = 0) -> dict:
    key = jax.random.key(seed)
    ks = jax.random.split(key, 8)
    x = jax.random.normal(ks[0], (2, 2048, N_EMBD), dtype=jnp.float32)
    Wr = jax.random.normal(ks[1], (N_EMBD, NUM_EXPERTS), dtype=jnp.float32) * 0.02
    br = jnp.zeros((NUM_EXPERTS,), dtype=jnp.float32)
    W1 = jax.random.normal(ks[2], (NUM_EXPERTS, N_EMBD, HID), dtype=jnp.float32) * 0.02
    b1 = jnp.zeros((NUM_EXPERTS, HID), dtype=jnp.float32)
    W2 = jax.random.normal(ks[3], (NUM_EXPERTS, HID, N_EMBD), dtype=jnp.float32) * 0.02
    b2 = jnp.zeros((NUM_EXPERTS, N_EMBD), dtype=jnp.float32)
    return {"x": x, "Wr": Wr, "br": br, "W1": W1, "b1": b1, "W2": W2, "b2": b2}


def reference(x, Wr, br, W1, b1, W2, b2):
    B, T, C = x.shape
    N = B * T
    E = Wr.shape[1]
    x_flat = x.reshape(N, C)
    router_logits = x_flat @ Wr + br
    router_probs = jax.nn.softmax(router_logits, axis=-1)
    top1_val = jnp.max(router_probs, axis=-1)
    top1_idx = jnp.argmax(router_probs, axis=-1)
    top1_mask = jax.nn.one_hot(top1_idx, E, dtype=jnp.float32)
    capacity = int(math.ceil(CAPACITY_FACTOR * N / E))
    positions = jnp.cumsum(top1_mask, axis=0) - 1.0
    dispatch_mask = (positions < capacity).astype(jnp.float32) * top1_mask
    importance = router_probs.mean(axis=0)
    load = dispatch_mask.mean(axis=0)
    aux_loss = (importance * load).sum() * E
    # slot of each token within its chosen expert
    tok_pos = (positions * top1_mask).sum(axis=1).astype(jnp.int32)
    keep = dispatch_mask.sum(axis=1) > 0
    # scatter kept tokens into [E, capacity, C] buffers (slot `capacity` is an overflow bin)
    pos_safe = jnp.where(keep, tok_pos, capacity)
    buf = jnp.zeros((E, capacity + 1, C), dtype=x_flat.dtype)
    buf = buf.at[top1_idx, pos_safe].add(x_flat)
    buf = buf[:, :capacity]
    # per-expert FFN: Linear -> ReLU -> Linear (dropout is identity in eval mode)
    h = jax.nn.relu(jnp.einsum('ecd,edh->ech', buf, W1) + b1[:, None, :])
    out_buf = jnp.einsum('ech,ehd->ecd', h, W2) + b2[:, None, :]
    # gather results back; dropped tokens get zeros
    pos_g = jnp.minimum(tok_pos, capacity - 1)
    out_tok = out_buf[top1_idx, pos_g] * keep[:, None].astype(x_flat.dtype) * top1_val[:, None]
    out = out_tok.reshape(B, T, C)
    return out, aux_loss

if __name__ == "__main__":
    import jax
    _d = setup_inputs()
    print(jax.jit(kernel)(*tuple(_d.values())))

</pallas_src>

<mosaic_0001>
#map = affine_map<(d0, d1) -> (0, 0)>
#map1 = affine_map<(d0, d1) -> (0)>
module attributes {stable_mosaic.version = 14 : i64} {
  func.func @dispatch(%arg0: i32, %arg1: i32, %arg2: memref<4096x1024xf32, #tpu.memory_space<hbm>>, %arg3: memref<4096x128xf32, #tpu.memory_space<hbm>>, %arg4: memref<4096xi32, #tpu.memory_space<hbm>>, %arg5: memref<6144x1024xf32, #tpu.memory_space<hbm>>, %arg6: memref<6144x128xf32, #tpu.memory_space<hbm>>, %arg7: memref<64xi32, #tpu.memory_space<vmem>>, %arg8: memref<64x1024xf32, #tpu.memory_space<vmem>>, %arg9: memref<64x128xf32, #tpu.memory_space<vmem>>, %arg10: memref<!tpu.dma_semaphore, #tpu.memory_space<semaphore_mem>>, %arg11: memref<!tpu.dma_semaphore, #tpu.memory_space<semaphore_mem>>) attributes {dimension_semantics = [#tpu.dimension_semantics<core_parallel>, #tpu.dimension_semantics<subcore_parallel>], iteration_bounds = array<i64: 2, 16>, scalar_prefetch = 0 : i64, scratch_operands = 5 : i64, tpu.core_type = #tpu.core_type<sc_vector_subcore>, window_params = [{transform_indices = #map}, {transform_indices = #map}, {transform_indices = #map1}, {transform_indices = #map}, {transform_indices = #map}]} {
    %mul3A = arith.constant 2 : i32
    %mul3A_0 = arith.muli %arg1, %mul3A : i32
    %add3A = arith.addi %mul3A_0, %arg0 : i32
    %mul3A_1 = arith.constant 128 : i32
    %mul3A_2 = arith.muli %add3A, %mul3A_1 : i32
    %add3A_3 = arith.constant 0 : i32
    %add3A_4 = arith.addi %mul3A_2, %add3A_3 : i32
    "tpu.region"() ({
      %run_scoped3A = tpu.sem_alloc : memref<!tpu.dma_semaphore, #tpu.memory_space<semaphore_mem>>
      %dma_start3A_31 = tpu.memref_slice %arg4[%add3A_4] : memref<4096xi32, #tpu.memory_space<hbm>> -> memref<64xi32, #tpu.memory_space<hbm>>
      %dma_start3A_32 = tpu.memref_slice %arg4[%add3A_4] : memref<4096xi32, #tpu.memory_space<hbm>> -> memref<64xi32, #tpu.memory_space<hbm>>
      tpu.enqueue_dma source(%dma_start3A_32 : memref<64xi32, #tpu.memory_space<hbm>>) target(%arg7 : memref<64xi32, #tpu.memory_space<vmem>>) target_semaphore(%run_scoped3A : memref<!tpu.dma_semaphore, #tpu.memory_space<semaphore_mem>>)
      %dma_wait3A_33 = tpu.memref_slice %arg4[%add3A_4] : memref<4096xi32, #tpu.memory_space<hbm>> -> memref<64xi32, #tpu.memory_space<hbm>>
      %dma_wait3A_34 = tpu.memref_slice %arg4[%add3A_4] : memref<4096xi32, #tpu.memory_space<hbm>> -> memref<64xi32, #tpu.memory_space<hbm>>
      tpu.wait_dma2 semaphore(%run_scoped3A : memref<!tpu.dma_semaphore, #tpu.memory_space<semaphore_mem>>) src(%dma_wait3A_34 : memref<64xi32, #tpu.memory_space<hbm>>) dst(%arg7 : memref<64xi32, #tpu.memory_space<vmem>>)
      tpu.yield
    }) : () -> ()
    "tpu.region"() ({
      %run_scoped3A = tpu.sem_alloc : memref<!tpu.dma_semaphore, #tpu.memory_space<semaphore_mem>>
      %dma_start3A_31 = arith.constant 0 : i32
      %dma_start3A_32 = tpu.memref_slice %arg2[%add3A_4, %dma_start3A_31] : memref<4096x1024xf32, #tpu.memory_space<hbm>> -> memref<64x1024xf32, #tpu.memory_space<hbm>>
      %dma_start3A_33 = arith.constant 0 : i32
      %dma_start3A_34 = tpu.memref_slice %arg2[%add3A_4, %dma_start3A_33] : memref<4096x1024xf32, #tpu.memory_space<hbm>> -> memref<64x1024xf32, #tpu.memory_space<hbm>>
      tpu.enqueue_dma source(%dma_start3A_34 : memref<64x1024xf32, #tpu.memory_space<hbm>>) target(%arg8 : memref<64x1024xf32, #tpu.memory_space<vmem>>) target_semaphore(%run_scoped3A : memref<!tpu.dma_semaphore, #tpu.memory_space<semaphore_mem>>)
      %dma_wait3A_35 = arith.constant 0 : i32
      %dma_wait3A_36 = tpu.memref_slice %arg2[%add3A_4, %dma_wait3A_35] : memref<4096x1024xf32, #tpu.memory_space<hbm>> -> memref<64x1024xf32, #tpu.memory_space<hbm>>
      %dma_wait3A_37 = arith.constant 0 : i32
      %dma_wait3A_38 = tpu.memref_slice %arg2[%add3A_4, %dma_wait3A_37] : memref<4096x1024xf32, #tpu.memory_space<hbm>> -> memref<64x1024xf32, #tpu.memory_space<hbm>>
      tpu.wait_dma2 semaphore(%run_scoped3A : memref<!tpu.dma_semaphore, #tpu.memory_space<semaphore_mem>>) src(%dma_wait3A_38 : memref<64x1024xf32, #tpu.memory_space<hbm>>) dst(%arg8 : memref<64x1024xf32, #tpu.memory_space<vmem>>)
      tpu.yield
    }) : () -> ()
    "tpu.region"() ({
      %run_scoped3A = tpu.sem_alloc : memref<!tpu.dma_semaphore, #tpu.memory_space<semaphore_mem>>
      %dma_start3A_31 = arith.constant 0 : i32
      %dma_start3A_32 = tpu.memref_slice %arg3[%add3A_4, %dma_start3A_31] : memref<4096x128xf32, #tpu.memory_space<hbm>> -> memref<64x128xf32, #tpu.memory_space<hbm>>
      %dma_start3A_33 = arith.constant 0 : i32
      %dma_start3A_34 = tpu.memref_slice %arg3[%add3A_4, %dma_start3A_33] : memref<4096x128xf32, #tpu.memory_space<hbm>> -> memref<64x128xf32, #tpu.memory_space<hbm>>
      tpu.enqueue_dma source(%dma_start3A_34 : memref<64x128xf32, #tpu.memory_space<hbm>>) target(%arg9 : memref<64x128xf32, #tpu.memory_space<vmem>>) target_semaphore(%run_scoped3A : memref<!tpu.dma_semaphore, #tpu.memory_space<semaphore_mem>>)
      %dma_wait3A_35 = arith.constant 0 : i32
      %dma_wait3A_36 = tpu.memref_slice %arg3[%add3A_4, %dma_wait3A_35] : memref<4096x128xf32, #tpu.memory_space<hbm>> -> memref<64x128xf32, #tpu.memory_space<hbm>>
      %dma_wait3A_37 = arith.constant 0 : i32
      %dma_wait3A_38 = tpu.memref_slice %arg3[%add3A_4, %dma_wait3A_37] : memref<4096x128xf32, #tpu.memory_space<hbm>> -> memref<64x128xf32, #tpu.memory_space<hbm>>
      tpu.wait_dma2 semaphore(%run_scoped3A : memref<!tpu.dma_semaphore, #tpu.memory_space<semaphore_mem>>) src(%dma_wait3A_38 : memref<64x128xf32, #tpu.memory_space<hbm>>) dst(%arg9 : memref<64x128xf32, #tpu.memory_space<vmem>>)
      tpu.yield
    }) : () -> ()
    %dma_start3A = arith.constant 0 : i32
    %dma_start3A_5 = arith.constant 0 : i32
    %dma_start3A_6 = tpu.memref_slice %arg5[%dma_start3A, %dma_start3A_5] : memref<6144x1024xf32, #tpu.memory_space<hbm>> -> memref<6144x1024xf32, #tpu.memory_space<hbm>>
    tpu.enqueue_indirect_dma source(%arg8 : memref<64x1024xf32, #tpu.memory_space<vmem>>) target(%dma_start3A_6 : memref<6144x1024xf32, #tpu.memory_space<hbm>>) offsets(%arg7 : memref<64xi32, #tpu.memory_space<vmem>>) semaphore(%arg10 : memref<!tpu.dma_semaphore, #tpu.memory_space<semaphore_mem>>)
    %dma_start3A_7 = arith.constant 0 : i32
    %dma_start3A_8 = arith.constant 0 : i32
    %dma_start3A_9 = tpu.memref_slice %arg6[%dma_start3A_7, %dma_start3A_8] : memref<6144x128xf32, #tpu.memory_space<hbm>> -> memref<6144x128xf32, #tpu.memory_space<hbm>>
    tpu.enqueue_indirect_dma source(%arg9 : memref<64x128xf32, #tpu.memory_space<vmem>>) target(%dma_start3A_9 : memref<6144x128xf32, #tpu.memory_space<hbm>>) offsets(%arg7 : memref<64xi32, #tpu.memory_space<vmem>>) semaphore(%arg11 : memref<!tpu.dma_semaphore, #tpu.memory_space<semaphore_mem>>)
    %dma_wait3A = arith.constant 0 : i32
    %dma_wait3A_10 = arith.constant 0 : i32
    %dma_wait3A_11 = tpu.memref_slice %arg5[%dma_wait3A, %dma_wait3A_10] : memref<6144x1024xf32, #tpu.memory_space<hbm>> -> memref<6144x1024xf32, #tpu.memory_space<hbm>>
    tpu.wait_indirect_dma semaphore(%arg10 : memref<!tpu.dma_semaphore, #tpu.memory_space<semaphore_mem>>) src(%arg8 : memref<64x1024xf32, #tpu.memory_space<vmem>>) dst(%dma_wait3A_11 : memref<6144x1024xf32, #tpu.memory_space<hbm>>)
    %dma_wait3A_12 = arith.constant 0 : i32
    %dma_wait3A_13 = arith.constant 0 : i32
    %dma_wait3A_14 = tpu.memref_slice %arg6[%dma_wait3A_12, %dma_wait3A_13] : memref<6144x128xf32, #tpu.memory_space<hbm>> -> memref<6144x128xf32, #tpu.memory_space<hbm>>
    tpu.wait_indirect_dma semaphore(%arg11 : memref<!tpu.dma_semaphore, #tpu.memory_space<semaphore_mem>>) src(%arg9 : memref<64x128xf32, #tpu.memory_space<vmem>>) dst(%dma_wait3A_14 : memref<6144x128xf32, #tpu.memory_space<hbm>>)
    %mul3A_15 = arith.constant 128 : i32
    %mul3A_16 = arith.muli %add3A, %mul3A_15 : i32
    %add3A_17 = arith.constant 64 : i32
    %add3A_18 = arith.addi %mul3A_16, %add3A_17 : i32
    "tpu.region"() ({
      %run_scoped3A = tpu.sem_alloc : memref<!tpu.dma_semaphore, #tpu.memory_space<semaphore_mem>>
      %dma_start3A_31 = tpu.memref_slice %arg4[%add3A_18] : memref<4096xi32, #tpu.memory_space<hbm>> -> memref<64xi32, #tpu.memory_space<hbm>>
      %dma_start3A_32 = tpu.memref_slice %arg4[%add3A_18] : memref<4096xi32, #tpu.memory_space<hbm>> -> memref<64xi32, #tpu.memory_space<hbm>>
      tpu.enqueue_dma source(%dma_start3A_32 : memref<64xi32, #tpu.memory_space<hbm>>) target(%arg7 : memref<64xi32, #tpu.memory_space<vmem>>) target_semaphore(%run_scoped3A : memref<!tpu.dma_semaphore, #tpu.memory_space<semaphore_mem>>)
      %dma_wait3A_33 = tpu.memref_slice %arg4[%add3A_18] : memref<4096xi32, #tpu.memory_space<hbm>> -> memref<64xi32, #tpu.memory_space<hbm>>
      %dma_wait3A_34 = tpu.memref_slice %arg4[%add3A_18] : memref<4096xi32, #tpu.memory_space<hbm>> -> memref<64xi32, #tpu.memory_space<hbm>>
      tpu.wait_dma2 semaphore(%run_scoped3A : memref<!tpu.dma_semaphore, #tpu.memory_space<semaphore_mem>>) src(%dma_wait3A_34 : memref<64xi32, #tpu.memory_space<hbm>>) dst(%arg7 : memref<64xi32, #tpu.memory_space<vmem>>)
      tpu.yield
    }) : () -> ()
    "tpu.region"() ({
      %run_scoped3A = tpu.sem_alloc : memref<!tpu.dma_semaphore, #tpu.memory_space<semaphore_mem>>
      %dma_start3A_31 = arith.constant 0 : i32
      %dma_start3A_32 = tpu.memref_slice %arg2[%add3A_18, %dma_start3A_31] : memref<4096x1024xf32, #tpu.memory_space<hbm>> -> memref<64x1024xf32, #tpu.memory_space<hbm>>
      %dma_start3A_33 = arith.constant 0 : i32
      %dma_start3A_34 = tpu.memref_slice %arg2[%add3A_18, %dma_start3A_33] : memref<4096x1024xf32, #tpu.memory_space<hbm>> -> memref<64x1024xf32, #tpu.memory_space<hbm>>
      tpu.enqueue_dma source(%dma_start3A_34 : memref<64x1024xf32, #tpu.memory_space<hbm>>) target(%arg8 : memref<64x1024xf32, #tpu.memory_space<vmem>>) target_semaphore(%run_scoped3A : memref<!tpu.dma_semaphore, #tpu.memory_space<semaphore_mem>>)
      %dma_wait3A_35 = arith.constant 0 : i32
      %dma_wait3A_36 = tpu.memref_slice %arg2[%add3A_18, %dma_wait3A_35] : memref<4096x1024xf32, #tpu.memory_space<hbm>> -> memref<64x1024xf32, #tpu.memory_space<hbm>>
      %dma_wait3A_37 = arith.constant 0 : i32
      %dma_wait3A_38 = tpu.memref_slice %arg2[%add3A_18, %dma_wait3A_37] : memref<4096x1024xf32, #tpu.memory_space<hbm>> -> memref<64x1024xf32, #tpu.memory_space<hbm>>
      tpu.wait_dma2 semaphore(%run_scoped3A : memref<!tpu.dma_semaphore, #tpu.memory_space<semaphore_mem>>) src(%dma_wait3A_38 : memref<64x1024xf32, #tpu.memory_space<hbm>>) dst(%arg8 : memref<64x1024xf32, #tpu.memory_space<vmem>>)
      tpu.yield
    }) : () -> ()
    "tpu.region"() ({
      %run_scoped3A = tpu.sem_alloc : memref<!tpu.dma_semaphore, #tpu.memory_space<semaphore_mem>>
      %dma_start3A_31 = arith.constant 0 : i32
      %dma_start3A_32 = tpu.memref_slice %arg3[%add3A_18, %dma_start3A_31] : memref<4096x128xf32, #tpu.memory_space<hbm>> -> memref<64x128xf32, #tpu.memory_space<hbm>>
      %dma_start3A_33 = arith.constant 0 : i32
      %dma_start3A_34 = tpu.memref_slice %arg3[%add3A_18, %dma_start3A_33] : memref<4096x128xf32, #tpu.memory_space<hbm>> -> memref<64x128xf32, #tpu.memory_space<hbm>>
      tpu.enqueue_dma source(%dma_start3A_34 : memref<64x128xf32, #tpu.memory_space<hbm>>) target(%arg9 : memref<64x128xf32, #tpu.memory_space<vmem>>) target_semaphore(%run_scoped3A : memref<!tpu.dma_semaphore, #tpu.memory_space<semaphore_mem>>)
      %dma_wait3A_35 = arith.constant 0 : i32
      %dma_wait3A_36 = tpu.memref_slice %arg3[%add3A_18, %dma_wait3A_35] : memref<4096x128xf32, #tpu.memory_space<hbm>> -> memref<64x128xf32, #tpu.memory_space<hbm>>
      %dma_wait3A_37 = arith.constant 0 : i32
      %dma_wait3A_38 = tpu.memref_slice %arg3[%add3A_18, %dma_wait3A_37] : memref<4096x128xf32, #tpu.memory_space<hbm>> -> memref<64x128xf32, #tpu.memory_space<hbm>>
      tpu.wait_dma2 semaphore(%run_scoped3A : memref<!tpu.dma_semaphore, #tpu.memory_space<semaphore_mem>>) src(%dma_wait3A_38 : memref<64x128xf32, #tpu.memory_space<hbm>>) dst(%arg9 : memref<64x128xf32, #tpu.memory_space<vmem>>)
      tpu.yield
    }) : () -> ()
    %dma_start3A_19 = arith.constant 0 : i32
    %dma_start3A_20 = arith.constant 0 : i32
    %dma_start3A_21 = tpu.memref_slice %arg5[%dma_start3A_19, %dma_start3A_20] : memref<6144x1024xf32, #tpu.memory_space<hbm>> -> memref<6144x1024xf32, #tpu.memory_space<hbm>>
    tpu.enqueue_indirect_dma source(%arg8 : memref<64x1024xf32, #tpu.memory_space<vmem>>) target(%dma_start3A_21 : memref<6144x1024xf32, #tpu.memory_space<hbm>>) offsets(%arg7 : memref<64xi32, #tpu.memory_space<vmem>>) semaphore(%arg10 : memref<!tpu.dma_semaphore, #tpu.memory_space<semaphore_mem>>)
    %dma_start3A_22 = arith.constant 0 : i32
    %dma_start3A_23 = arith.constant 0 : i32
    %dma_start3A_24 = tpu.memref_slice %arg6[%dma_start3A_22, %dma_start3A_23] : memref<6144x128xf32, #tpu.memory_space<hbm>> -> memref<6144x128xf32, #tpu.memory_space<hbm>>
    tpu.enqueue_indirect_dma source(%arg9 : memref<64x128xf32, #tpu.memory_space<vmem>>) target(%dma_start3A_24 : memref<6144x128xf32, #tpu.memory_space<hbm>>) offsets(%arg7 : memref<64xi32, #tpu.memory_space<vmem>>) semaphore(%arg11 : memref<!tpu.dma_semaphore, #tpu.memory_space<semaphore_mem>>)
    %dma_wait3A_25 = arith.constant 0 : i32
    %dma_wait3A_26 = arith.constant 0 : i32
    %dma_wait3A_27 = tpu.memref_slice %arg5[%dma_wait3A_25, %dma_wait3A_26] : memref<6144x1024xf32, #tpu.memory_space<hbm>> -> memref<6144x1024xf32, #tpu.memory_space<hbm>>
    tpu.wait_indirect_dma semaphore(%arg10 : memref<!tpu.dma_semaphore, #tpu.memory_space<semaphore_mem>>) src(%arg8 : memref<64x1024xf32, #tpu.memory_space<vmem>>) dst(%dma_wait3A_27 : memref<6144x1024xf32, #tpu.memory_space<hbm>>)
    %dma_wait3A_28 = arith.constant 0 : i32
    %dma_wait3A_29 = arith.constant 0 : i32
    %dma_wait3A_30 = tpu.memref_slice %arg6[%dma_wait3A_28, %dma_wait3A_29] : memref<6144x128xf32, #tpu.memory_space<hbm>> -> memref<6144x128xf32, #tpu.memory_space<hbm>>
    tpu.wait_indirect_dma semaphore(%arg11 : memref<!tpu.dma_semaphore, #tpu.memory_space<semaphore_mem>>) src(%arg9 : memref<64x128xf32, #tpu.memory_space<vmem>>) dst(%dma_wait3A_30 : memref<6144x128xf32, #tpu.memory_space<hbm>>)
    return
  }
}

#map = affine_map<(d0, d1) -> (0, 0)>
#map1 = affine_map<(d0, d1) -> (0)>
module attributes {stable_mosaic.version = 14 : i64} {
  func.func @gather(%arg0: i32, %arg1: i32, %arg2: memref<6144x1024xf32, #tpu.memory_space<hbm>>, %arg3: memref<4096xi32, #tpu.memory_space<hbm>>, %arg4: memref<4096x1024xf32, #tpu.memory_space<hbm>>, %arg5: memref<64xi32, #tpu.memory_space<vmem>>, %arg6: memref<64x1024xf32, #tpu.memory_space<vmem>>, %arg7: memref<!tpu.dma_semaphore, #tpu.memory_space<semaphore_mem>>) attributes {dimension_semantics = [#tpu.dimension_semantics<core_parallel>, #tpu.dimension_semantics<subcore_parallel>], iteration_bounds = array<i64: 2, 16>, scalar_prefetch = 0 : i64, scratch_operands = 3 : i64, tpu.core_type = #tpu.core_type<sc_vector_subcore>, window_params = [{transform_indices = #map}, {transform_indices = #map1}, {transform_indices = #map}]} {
    %mul3A = arith.constant 2 : i32
    %mul3A_0 = arith.muli %arg1, %mul3A : i32
    %add3A = arith.addi %mul3A_0, %arg0 : i32
    %mul3A_1 = arith.constant 128 : i32
    %mul3A_2 = arith.muli %add3A, %mul3A_1 : i32
    %add3A_3 = arith.constant 0 : i32
    %add3A_4 = arith.addi %mul3A_2, %add3A_3 : i32
    "tpu.region"() ({
      %run_scoped3A = tpu.sem_alloc : memref<!tpu.dma_semaphore, #tpu.memory_space<semaphore_mem>>
      %dma_start3A_19 = tpu.memref_slice %arg3[%add3A_4] : memref<4096xi32, #tpu.memory_space<hbm>> -> memref<64xi32, #tpu.memory_space<hbm>>
      %dma_start3A_20 = tpu.memref_slice %arg3[%add3A_4] : memref<4096xi32, #tpu.memory_space<hbm>> -> memref<64xi32, #tpu.memory_space<hbm>>
      tpu.enqueue_dma source(%dma_start3A_20 : memref<64xi32, #tpu.memory_space<hbm>>) target(%arg5 : memref<64xi32, #tpu.memory_space<vmem>>) target_semaphore(%run_scoped3A : memref<!tpu.dma_semaphore, #tpu.memory_space<semaphore_mem>>)
      %dma_wait3A_21 = tpu.memref_slice %arg3[%add3A_4] : memref<4096xi32, #tpu.memory_space<hbm>> -> memref<64xi32, #tpu.memory_space<hbm>>
      %dma_wait3A_22 = tpu.memref_slice %arg3[%add3A_4] : memref<4096xi32, #tpu.memory_space<hbm>> -> memref<64xi32, #tpu.memory_space<hbm>>
      tpu.wait_dma2 semaphore(%run_scoped3A : memref<!tpu.dma_semaphore, #tpu.memory_space<semaphore_mem>>) src(%dma_wait3A_22 : memref<64xi32, #tpu.memory_space<hbm>>) dst(%arg5 : memref<64xi32, #tpu.memory_space<vmem>>)
      tpu.yield
    }) : () -> ()
    %dma_start3A = arith.constant 0 : i32
    %dma_start3A_5 = arith.constant 0 : i32
    %dma_start3A_6 = tpu.memref_slice %arg2[%dma_start3A, %dma_start3A_5] : memref<6144x1024xf32, #tpu.memory_space<hbm>> -> memref<6144x1024xf32, #tpu.memory_space<hbm>>
    tpu.enqueue_indirect_dma source(%dma_start3A_6 : memref<6144x1024xf32, #tpu.memory_space<hbm>>) target(%arg6 : memref<64x1024xf32, #tpu.memory_space<vmem>>) offsets(%arg5 : memref<64xi32, #tpu.memory_space<vmem>>) semaphore(%arg7 : memref<!tpu.dma_semaphore, #tpu.memory_space<semaphore_mem>>)
    %dma_wait3A = arith.constant 0 : i32
    %dma_wait3A_7 = arith.constant 0 : i32
    %dma_wait3A_8 = tpu.memref_slice %arg2[%dma_wait3A, %dma_wait3A_7] : memref<6144x1024xf32, #tpu.memory_space<hbm>> -> memref<6144x1024xf32, #tpu.memory_space<hbm>>
    tpu.wait_indirect_dma semaphore(%arg7 : memref<!tpu.dma_semaphore, #tpu.memory_space<semaphore_mem>>) src(%dma_wait3A_8 : memref<6144x1024xf32, #tpu.memory_space<hbm>>) dst(%arg6 : memref<64x1024xf32, #tpu.memory_space<vmem>>)
    "tpu.region"() ({
      %run_scoped3A = tpu.sem_alloc : memref<!tpu.dma_semaphore, #tpu.memory_space<semaphore_mem>>
      %dma_start3A_19 = arith.constant 0 : i32
      %dma_start3A_20 = tpu.memref_slice %arg4[%add3A_4, %dma_start3A_19] : memref<4096x1024xf32, #tpu.memory_space<hbm>> -> memref<64x1024xf32, #tpu.memory_space<hbm>>
      %dma_start3A_21 = arith.constant 0 : i32
      %dma_start3A_22 = tpu.memref_slice %arg4[%add3A_4, %dma_start3A_21] : memref<4096x1024xf32, #tpu.memory_space<hbm>> -> memref<64x1024xf32, #tpu.memory_space<hbm>>
      tpu.enqueue_dma source(%arg6 : memref<64x1024xf32, #tpu.memory_space<vmem>>) target(%dma_start3A_22 : memref<64x1024xf32, #tpu.memory_space<hbm>>) target_semaphore(%run_scoped3A : memref<!tpu.dma_semaphore, #tpu.memory_space<semaphore_mem>>)
      %dma_wait3A_23 = arith.constant 0 : i32
      %dma_wait3A_24 = tpu.memref_slice %arg4[%add3A_4, %dma_wait3A_23] : memref<4096x1024xf32, #tpu.memory_space<hbm>> -> memref<64x1024xf32, #tpu.memory_space<hbm>>
      %dma_wait3A_25 = arith.constant 0 : i32
      %dma_wait3A_26 = tpu.memref_slice %arg4[%add3A_4, %dma_wait3A_25] : memref<4096x1024xf32, #tpu.memory_space<hbm>> -> memref<64x1024xf32, #tpu.memory_space<hbm>>
      tpu.wait_dma2 semaphore(%run_scoped3A : memref<!tpu.dma_semaphore, #tpu.memory_space<semaphore_mem>>) src(%arg6 : memref<64x1024xf32, #tpu.memory_space<vmem>>) dst(%dma_wait3A_26 : memref<64x1024xf32, #tpu.memory_space<hbm>>)
      tpu.yield
    }) : () -> ()
    %mul3A_9 = arith.constant 128 : i32
    %mul3A_10 = arith.muli %add3A, %mul3A_9 : i32
    %add3A_11 = arith.constant 64 : i32
    %add3A_12 = arith.addi %mul3A_10, %add3A_11 : i32
    "tpu.region"() ({
      %run_scoped3A = tpu.sem_alloc : memref<!tpu.dma_semaphore, #tpu.memory_space<semaphore_mem>>
      %dma_start3A_19 = tpu.memref_slice %arg3[%add3A_12] : memref<4096xi32, #tpu.memory_space<hbm>> -> memref<64xi32, #tpu.memory_space<hbm>>
      %dma_start3A_20 = tpu.memref_slice %arg3[%add3A_12] : memref<4096xi32, #tpu.memory_space<hbm>> -> memref<64xi32, #tpu.memory_space<hbm>>
      tpu.enqueue_dma source(%dma_start3A_20 : memref<64xi32, #tpu.memory_space<hbm>>) target(%arg5 : memref<64xi32, #tpu.memory_space<vmem>>) target_semaphore(%run_scoped3A : memref<!tpu.dma_semaphore, #tpu.memory_space<semaphore_mem>>)
      %dma_wait3A_21 = tpu.memref_slice %arg3[%add3A_12] : memref<4096xi32, #tpu.memory_space<hbm>> -> memref<64xi32, #tpu.memory_space<hbm>>
      %dma_wait3A_22 = tpu.memref_slice %arg3[%add3A_12] : memref<4096xi32, #tpu.memory_space<hbm>> -> memref<64xi32, #tpu.memory_space<hbm>>
      tpu.wait_dma2 semaphore(%run_scoped3A : memref<!tpu.dma_semaphore, #tpu.memory_space<semaphore_mem>>) src(%dma_wait3A_22 : memref<64xi32, #tpu.memory_space<hbm>>) dst(%arg5 : memref<64xi32, #tpu.memory_space<vmem>>)
      tpu.yield
    }) : () -> ()
    %dma_start3A_13 = arith.constant 0 : i32
    %dma_start3A_14 = arith.constant 0 : i32
    %dma_start3A_15 = tpu.memref_slice %arg2[%dma_start3A_13, %dma_start3A_14] : memref<6144x1024xf32, #tpu.memory_space<hbm>> -> memref<6144x1024xf32, #tpu.memory_space<hbm>>
    tpu.enqueue_indirect_dma source(%dma_start3A_15 : memref<6144x1024xf32, #tpu.memory_space<hbm>>) target(%arg6 : memref<64x1024xf32, #tpu.memory_space<vmem>>) offsets(%arg5 : memref<64xi32, #tpu.memory_space<vmem>>) semaphore(%arg7 : memref<!tpu.dma_semaphore, #tpu.memory_space<semaphore_mem>>)
    %dma_wait3A_16 = arith.constant 0 : i32
    %dma_wait3A_17 = arith.constant 0 : i32
    %dma_wait3A_18 = tpu.memref_slice %arg2[%dma_wait3A_16, %dma_wait3A_17] : memref<6144x1024xf32, #tpu.memory_space<hbm>> -> memref<6144x1024xf32, #tpu.memory_space<hbm>>
    tpu.wait_indirect_dma semaphore(%arg7 : memref<!tpu.dma_semaphore, #tpu.memory_space<semaphore_mem>>) src(%dma_wait3A_18 : memref<6144x1024xf32, #tpu.memory_space<hbm>>) dst(%arg6 : memref<64x1024xf32, #tpu.memory_space<vmem>>)
    "tpu.region"() ({
      %run_scoped3A = tpu.sem_alloc : memref<!tpu.dma_semaphore, #tpu.memory_space<semaphore_mem>>
      %dma_start3A_19 = arith.constant 0 : i32
      %dma_start3A_20 = tpu.memref_slice %arg4[%add3A_12, %dma_start3A_19] : memref<4096x1024xf32, #tpu.memory_space<hbm>> -> memref<64x1024xf32, #tpu.memory_space<hbm>>
      %dma_start3A_21 = arith.constant 0 : i32
      %dma_start3A_22 = tpu.memref_slice %arg4[%add3A_12, %dma_start3A_21] : memref<4096x1024xf32, #tpu.memory_space<hbm>> -> memref<64x1024xf32, #tpu.memory_space<hbm>>
      tpu.enqueue_dma source(%arg6 : memref<64x1024xf32, #tpu.memory_space<vmem>>) target(%dma_start3A_22 : memref<64x1024xf32, #tpu.memory_space<hbm>>) target_semaphore(%run_scoped3A : memref<!tpu.dma_semaphore, #tpu.memory_space<semaphore_mem>>)
      %dma_wait3A_23 = arith.constant 0 : i32
      %dma_wait3A_24 = tpu.memref_slice %arg4[%add3A_12, %dma_wait3A_23] : memref<4096x1024xf32, #tpu.memory_space<hbm>> -> memref<64x1024xf32, #tpu.memory_space<hbm>>
      %dma_wait3A_25 = arith.constant 0 : i32
      %dma_wait3A_26 = tpu.memref_slice %arg4[%add3A_12, %dma_wait3A_25] : memref<4096x1024xf32, #tpu.memory_space<hbm>> -> memref<64x1024xf32, #tpu.memory_space<hbm>>
      tpu.wait_dma2 semaphore(%run_scoped3A : memref<!tpu.dma_semaphore, #tpu.memory_space<semaphore_mem>>) src(%arg6 : memref<64x1024xf32, #tpu.memory_space<vmem>>) dst(%dma_wait3A_26 : memref<64x1024xf32, #tpu.memory_space<hbm>>)
      tpu.yield
    }) : () -> ()
    return
  }
}

module attributes {stable_mosaic.version = 14 : i64} {
  func.func @_ffn_body(%arg0: i32, %arg1: i32, %arg2: memref<1x8xi32, #tpu.memory_space<smem>>, %arg3: memref<1x768x1024xf32, #tpu.memory_space<vmem>>, %arg4: memref<1x1024x2048xf32, #tpu.memory_space<vmem>>, %arg5: memref<1x1x2048xf32, #tpu.memory_space<vmem>>, %arg6: memref<1x2048x1024xf32, #tpu.memory_space<vmem>>, %arg7: memref<1x1x1024xf32, #tpu.memory_space<vmem>>, %arg8: memref<1x768x128xf32, #tpu.memory_space<vmem>>, %arg9: memref<1x768x1024xf32, #tpu.memory_space<vmem>>, %arg10: memref<768x1024xbf16, #tpu.memory_space<vmem>>) attributes {dimension_semantics = [#tpu.dimension_semantics<arbitrary>, #tpu.dimension_semantics<arbitrary>], iteration_bounds = array<i64: 8, 2>, scalar_prefetch = 0 : i64, scratch_operands = 1 : i64, tpu.core_type = #tpu.core_type<tc>, window_params = [{transform_indices = @transform_0, window_bounds = array<i64: 1, 8>}, {transform_indices = @transform_1, window_bounds = array<i64: 1, 768, 1024>}, {transform_indices = @transform_2, window_bounds = array<i64: 1, 1024, 2048>}, {transform_indices = @transform_3, window_bounds = array<i64: 1, 1, 2048>}, {transform_indices = @transform_4, window_bounds = array<i64: 1, 2048, 1024>}, {transform_indices = @transform_5, window_bounds = array<i64: 1, 1, 1024>}, {transform_indices = @transform_6, window_bounds = array<i64: 1, 768, 128>}, {transform_indices = @transform_7, window_bounds = array<i64: 1, 768, 1024>}]} {
    %get3A = arith.constant 0 : index
    %get3A_0 = arith.index_cast %arg0 : i32 to index
    %get3A_1 = memref.load %arg2[%get3A, %get3A_0] : memref<1x8xi32, #tpu.memory_space<smem>>
    %eq3A = arith.constant 0 : i32
    %eq3A_2 = arith.cmpi eq, %arg1, %eq3A : i32
    %convert_element_type3A = arith.extui %eq3A_2 : i1 to i32
    %cond3A = arith.constant 0 : i32
    %cond3A_3 = arith.cmpi ne, %convert_element_type3A, %cond3A : i32
    scf.if %cond3A_3 {
      %broadcast_in_dim3A = arith.constant 0.000000e+00 : f32
      %broadcast_in_dim3A_30 = vector.broadcast %broadcast_in_dim3A : f32 to vector<128x1024xf32>
      %swap3A = arith.constant 0 : index
      %swap3A_31 = arith.constant 640 : index
      %swap3A_32 = arith.constant 0 : index
      %swap3A_33 = vector.load %arg9[%swap3A, %swap3A_31, %swap3A_32] : memref<1x768x1024xf32, #tpu.memory_space<vmem>>, vector<1x128x1024xf32>
      %swap3A_34 = vector.shape_cast %swap3A_33 : vector<1x128x1024xf32> to vector<128x1024xf32>
      %swap3A_35 = vector.shape_cast %broadcast_in_dim3A_30 : vector<128x1024xf32> to vector<1x128x1024xf32>
      tpu.vector_store %arg9[%swap3A, %swap3A_31, %swap3A_32], %swap3A_35 {strides = array<i32>} : memref<1x768x1024xf32, #tpu.memory_space<vmem>>, vector<1x128x1024xf32>,
      %get3A_36 = arith.constant 0 : index
      %get3A_37 = arith.constant 0 : index
      %get3A_38 = arith.constant 0 : index
      %get3A_39 = vector.load %arg3[%get3A_36, %get3A_37, %get3A_38] : memref<1x768x1024xf32, #tpu.memory_space<vmem>>, vector<1x768x1024xf32>
      %get3A_40 = vector.shape_cast %get3A_39 : vector<1x768x1024xf32> to vector<768x1024xf32>
      %convert_element_type3A_41 = arith.truncf %get3A_40 : vector<768x1024xf32> to vector<768x1024xbf16>
      %swap3A_42 = arith.constant 0 : index
      %swap3A_43 = arith.constant 0 : index
      %swap3A_44 = vector.load %arg10[%swap3A_42, %swap3A_43] : memref<768x1024xbf16, #tpu.memory_space<vmem>>, vector<768x1024xbf16>
      tpu.vector_store %arg10[%swap3A_42, %swap3A_43], %convert_element_type3A_41 {strides = array<i32>} : memref<768x1024xbf16, #tpu.memory_space<vmem>>, vector<768x1024xbf16>,
    } else {
    }
    %get3A_4 = arith.constant 0 : index
    %get3A_5 = arith.constant 0 : index
    %get3A_6 = arith.constant 0 : index
    %get3A_7 = vector.load %arg4[%get3A_4, %get3A_5, %get3A_6] : memref<1x1024x2048xf32, #tpu.memory_space<vmem>>, vector<1x1024x2048xf32>
    %get3A_8 = vector.shape_cast %get3A_7 : vector<1x1024x2048xf32> to vector<1024x2048xf32>
    %convert_element_type3A_9 = arith.truncf %get3A_8 : vector<1024x2048xf32> to vector<1024x2048xbf16>
    %get3A_10 = arith.constant 0 : index
    %get3A_11 = arith.constant 0 : index
    %get3A_12 = arith.constant 0 : index
    %get3A_13 = vector.load %arg6[%get3A_10, %get3A_11, %get3A_12] : memref<1x2048x1024xf32, #tpu.memory_space<vmem>>, vector<1x2048x1024xf32>
    %get3A_14 = vector.shape_cast %get3A_13 : vector<1x2048x1024xf32> to vector<2048x1024xf32>
    %convert_element_type3A_15 = arith.truncf %get3A_14 : vector<2048x1024xf32> to vector<2048x1024xbf16>
    %gt3A = arith.constant 0 : i32
    %gt3A_16 = arith.cmpi sgt, %get3A_1, %gt3A : i32
    %convert_element_type3A_17 = arith.extui %gt3A_16 : i1 to i32
    %cond3A_18 = arith.constant 0 : i32
    %cond3A_19 = arith.cmpi ne, %convert_element_type3A_17, %cond3A_18 : i32
    scf.if %cond3A_19 {
      %get3A_30 = arith.constant 0 : index
      %get3A_31 = arith.constant 0 : index
      %get3A_32 = vector.load %arg10[%get3A_30, %get3A_31] : memref<768x1024xbf16, #tpu.memory_space<vmem>>, vector<256x1024xbf16>
      %dot_general3A = arith.constant dense<0.000000e+00> : vector<256x2048xf32>
      %dot_general3A_33 = tpu.matmul %get3A_32, %convert_element_type3A_9, %dot_general3A {dimension_numbers = #tpu.dot_dimension_numbers<[1], [0], [0], [1], [0, 0, 1, 1], [], []>, transpose_lhs_hint = false} : vector<256x1024xbf16>, vector<1024x2048xbf16>, vector<256x2048xf32> -> vector<256x2048xf32>
      %get3A_34 = arith.constant 0 : index
      %get3A_35 = arith.constant 0 : index
      %get3A_36 = arith.constant 0 : index
      %get3A_37 = vector.load %arg5[%get3A_34, %get3A_35, %get3A_36] : memref<1x1x2048xf32, #tpu.memory_space<vmem>>, vector<1x1x2048xf32>
      %get3A_38 = vector.shape_cast %get3A_37 : vector<1x1x2048xf32> to vector<1x2048xf32>
      %add3A = vector.broadcast %get3A_38 : vector<1x2048xf32> to vector<256x2048xf32>
      %add3A_39 = arith.addf %dot_general3A_33, %add3A : vector<256x2048xf32>
      %max3A = arith.constant 0.000000e+00 : f32
      %max3A_40 = vector.broadcast %max3A : f32 to vector<256x2048xf32>
      %max3A_41 = arith.maximumf %add3A_39, %max3A_40 : vector<256x2048xf32>
      %convert_element_type3A_42 = arith.truncf %max3A_41 : vector<256x2048xf32> to vector<256x2048xbf16>
      %dot_general3A_43 = arith.constant dense<0.000000e+00> : vector<256x1024xf32>
      %dot_general3A_44 = tpu.matmul %convert_element_type3A_42, %convert_element_type3A_15, %dot_general3A_43 {dimension_numbers = #tpu.dot_dimension_numbers<[1], [0], [0], [1], [0, 0, 1, 1], [], []>, transpose_lhs_hint = false} : vector<256x2048xbf16>, vector<2048x1024xbf16>, vector<256x1024xf32> -> vector<256x1024xf32>
      %eq3A_45 = arith.constant 0 : i32
      %eq3A_46 = arith.cmpi eq, %arg1, %eq3A_45 : i32
      %convert_element_type3A_47 = arith.extui %eq3A_46 : i1 to i32
      %cond3A_48 = arith.constant 0 : i32
      %cond3A_49 = arith.cmpi ne, %convert_element_type3A_47, %cond3A_48 : i32
      scf.if %cond3A_49 {
        %swap3A = arith.constant 0 : index
        %swap3A_55 = arith.constant 0 : index
        %swap3A_56 = arith.constant 0 : index
        %swap3A_57 = vector.load %arg9[%swap3A, %swap3A_55, %swap3A_56] : memref<1x768x1024xf32, #tpu.memory_space<vmem>>, vector<1x256x1024xf32>
        %swap3A_58 = vector.shape_cast %swap3A_57 : vector<1x256x1024xf32> to vector<256x1024xf32>
        %swap3A_59 = vector.shape_cast %dot_general3A_44 : vector<256x1024xf32> to vector<1x256x1024xf32>
        tpu.vector_store %arg9[%swap3A, %swap3A_55, %swap3A_56], %swap3A_59 {strides = array<i32>} : memref<1x768x1024xf32, #tpu.memory_space<vmem>>, vector<1x256x1024xf32>,
      } else {
      }
      %gt3A_50 = arith.constant 0 : i32
      %gt3A_51 = arith.cmpi sgt, %arg1, %gt3A_50 : i32
      %convert_element_type3A_52 = arith.extui %gt3A_51 : i1 to i32
      %cond3A_53 = arith.constant 0 : i32
      %cond3A_54 = arith.cmpi ne, %convert_element_type3A_52, %cond3A_53 : i32
      scf.if %cond3A_54 {
        %get3A_55 = arith.constant 0 : index
        %get3A_56 = arith.constant 0 : index
        %get3A_57 = arith.constant 0 : index
        %get3A_58 = vector.load %arg8[%get3A_55, %get3A_56, %get3A_57] : memref<1x768x128xf32, #tpu.memory_space<vmem>>, vector<1x256x1xf32>
        %get3A_59 = vector.shape_cast %get3A_58 : vector<1x256x1xf32> to vector<256x1xf32>
        %get3A_60 = arith.constant 0 : index
        %get3A_61 = arith.constant 0 : index
        %get3A_62 = arith.constant 0 : index
        %get3A_63 = vector.load %arg9[%get3A_60, %get3A_61, %get3A_62] : memref<1x768x1024xf32, #tpu.memory_space<vmem>>, vector<1x256x1024xf32>
        %get3A_64 = vector.shape_cast %get3A_63 : vector<1x256x1024xf32> to vector<256x1024xf32>
        %add3A_65 = arith.addf %get3A_64, %dot_general3A_44 : vector<256x1024xf32>
        %get3A_66 = arith.constant 0 : index
        %get3A_67 = arith.constant 0 : index
        %get3A_68 = arith.constant 0 : index
        %get3A_69 = vector.load %arg7[%get3A_66, %get3A_67, %get3A_68] : memref<1x1x1024xf32, #tpu.memory_space<vmem>>, vector<1x1x1024xf32>
        %get3A_70 = vector.shape_cast %get3A_69 : vector<1x1x1024xf32> to vector<1x1024xf32>
        %add3A_71 = vector.broadcast %get3A_70 : vector<1x1024xf32> to vector<256x1024xf32>
        %add3A_72 = arith.addf %add3A_65, %add3A_71 : vector<256x1024xf32>
        %mul3A = vector.broadcast %get3A_59 : vector<256x1xf32> to vector<256x1024xf32>
        %mul3A_73 = arith.mulf %add3A_72, %mul3A : vector<256x1024xf32>
        %swap3A = arith.constant 0 : index
        %swap3A_74 = arith.constant 0 : index
        %swap3A_75 = arith.constant 0 : index
        %swap3A_76 = vector.load %arg9[%swap3A, %swap3A_74, %swap3A_75] : memref<1x768x1024xf32, #tpu.memory_space<vmem>>, vector<1x256x1024xf32>
        %swap3A_77 = vector.shape_cast %swap3A_76 : vector<1x256x1024xf32> to vector<256x1024xf32>
        %swap3A_78 = vector.shape_cast %mul3A_73 : vector<256x1024xf32> to vector<1x256x1024xf32>
        tpu.vector_store %arg9[%swap3A, %swap3A_74, %swap3A_75], %swap3A_78 {strides = array<i32>} : memref<1x768x1024xf32, #tpu.memory_space<vmem>>, vector<1x256x1024xf32>,
      } else {
      }
    } else {
    }
    %gt3A_20 = arith.constant 256 : i32
    %gt3A_21 = arith.cmpi sgt, %get3A_1, %gt3A_20 : i32
    %convert_element_type3A_22 = arith.extui %gt3A_21 : i1 to i32
    %cond3A_23 = arith.constant 0 : i32
    %cond3A_24 = arith.cmpi ne, %convert_element_type3A_22, %cond3A_23 : i32
    scf.if %cond3A_24 {
      %get3A_30 = arith.constant 256 : index
      %get3A_31 = arith.constant 0 : index
      %get3A_32 = vector.load %arg10[%get3A_30, %get3A_31] : memref<768x1024xbf16, #tpu.memory_space<vmem>>, vector<256x1024xbf16>
      %dot_general3A = arith.constant dense<0.000000e+00> : vector<256x2048xf32>
      %dot_general3A_33 = tpu.matmul %get3A_32, %convert_element_type3A_9, %dot_general3A {dimension_numbers = #tpu.dot_dimension_numbers<[1], [0], [0], [1], [0, 0, 1, 1], [], []>, transpose_lhs_hint = false} : vector<256x1024xbf16>, vector<1024x2048xbf16>, vector<256x2048xf32> -> vector<256x2048xf32>
      %get3A_34 = arith.constant 0 : index
      %get3A_35 = arith.constant 0 : index
      %get3A_36 = arith.constant 0 : index
      %get3A_37 = vector.load %arg5[%get3A_34, %get3A_35, %get3A_36] : memref<1x1x2048xf32, #tpu.memory_space<vmem>>, vector<1x1x2048xf32>
      %get3A_38 = vector.shape_cast %get3A_37 : vector<1x1x2048xf32> to vector<1x2048xf32>
      %add3A = vector.broadcast %get3A_38 : vector<1x2048xf32> to vector<256x2048xf32>
      %add3A_39 = arith.addf %dot_general3A_33, %add3A : vector<256x2048xf32>
      %max3A = arith.constant 0.000000e+00 : f32
      %max3A_40 = vector.broadcast %max3A : f32 to vector<256x2048xf32>
      %max3A_41 = arith.maximumf %add3A_39, %max3A_40 : vector<256x2048xf32>
      %convert_element_type3A_42 = arith.truncf %max3A_41 : vector<256x2048xf32> to vector<256x2048xbf16>
      %dot_general3A_43 = arith.constant dense<0.000000e+00> : vector<256x1024xf32>
      %dot_general3A_44 = tpu.matmul %convert_element_type3A_42, %convert_element_type3A_15, %dot_general3A_43 {dimension_numbers = #tpu.dot_dimension_numbers<[1], [0], [0], [1], [0, 0, 1, 1], [], []>, transpose_lhs_hint = false} : vector<256x2048xbf16>, vector<2048x1024xbf16>, vector<256x1024xf32> -> vector<256x1024xf32>
      %eq3A_45 = arith.constant 0 : i32
      %eq3A_46 = arith.cmpi eq, %arg1, %eq3A_45 : i32
      %convert_element_type3A_47 = arith.extui %eq3A_46 : i1 to i32
      %cond3A_48 = arith.constant 0 : i32
      %cond3A_49 = arith.cmpi ne, %convert_element_type3A_47, %cond3A_48 : i32
      scf.if %cond3A_49 {
        %swap3A = arith.constant 0 : index
        %swap3A_55 = arith.constant 256 : index
        %swap3A_56 = arith.constant 0 : index
        %swap3A_57 = vector.load %arg9[%swap3A, %swap3A_55, %swap3A_56] : memref<1x768x1024xf32, #tpu.memory_space<vmem>>, vector<1x256x1024xf32>
        %swap3A_58 = vector.shape_cast %swap3A_57 : vector<1x256x1024xf32> to vector<256x1024xf32>
        %swap3A_59 = vector.shape_cast %dot_general3A_44 : vector<256x1024xf32> to vector<1x256x1024xf32>
        tpu.vector_store %arg9[%swap3A, %swap3A_55, %swap3A_56], %swap3A_59 {strides = array<i32>} : memref<1x768x1024xf32, #tpu.memory_space<vmem>>, vector<1x256x1024xf32>,
      } else {
      }
      %gt3A_50 = arith.constant 0 : i32
      %gt3A_51 = arith.cmpi sgt, %arg1, %gt3A_50 : i32
      %convert_element_type3A_52 = arith.extui %gt3A_51 : i1 to i32
      %cond3A_53 = arith.constant 0 : i32
      %cond3A_54 = arith.cmpi ne, %convert_element_type3A_52, %cond3A_53 : i32
      scf.if %cond3A_54 {
        %get3A_55 = arith.constant 0 : index
        %get3A_56 = arith.constant 256 : index
        %get3A_57 = arith.constant 0 : index
        %get3A_58 = vector.load %arg8[%get3A_55, %get3A_56, %get3A_57] : memref<1x768x128xf32, #tpu.memory_space<vmem>>, vector<1x256x1xf32>
        %get3A_59 = vector.shape_cast %get3A_58 : vector<1x256x1xf32> to vector<256x1xf32>
        %get3A_60 = arith.constant 0 : index
        %get3A_61 = arith.constant 256 : index
        %get3A_62 = arith.constant 0 : index
        %get3A_63 = vector.load %arg9[%get3A_60, %get3A_61, %get3A_62] : memref<1x768x1024xf32, #tpu.memory_space<vmem>>, vector<1x256x1024xf32>
        %get3A_64 = vector.shape_cast %get3A_63 : vector<1x256x1024xf32> to vector<256x1024xf32>
        %add3A_65 = arith.addf %get3A_64, %dot_general3A_44 : vector<256x1024xf32>
        %get3A_66 = arith.constant 0 : index
        %get3A_67 = arith.constant 0 : index
        %get3A_68 = arith.constant 0 : index
        %get3A_69 = vector.load %arg7[%get3A_66, %get3A_67, %get3A_68] : memref<1x1x1024xf32, #tpu.memory_space<vmem>>, vector<1x1x1024xf32>
        %get3A_70 = vector.shape_cast %get3A_69 : vector<1x1x1024xf32> to vector<1x1024xf32>
        %add3A_71 = vector.broadcast %get3A_70 : vector<1x1024xf32> to vector<256x1024xf32>
        %add3A_72 = arith.addf %add3A_65, %add3A_71 : vector<256x1024xf32>
        %mul3A = vector.broadcast %get3A_59 : vector<256x1xf32> to vector<256x1024xf32>
        %mul3A_73 = arith.mulf %add3A_72, %mul3A : vector<256x1024xf32>
        %swap3A = arith.constant 0 : index
        %swap3A_74 = arith.constant 256 : index
        %swap3A_75 = arith.constant 0 : index
        %swap3A_76 = vector.load %arg9[%swap3A, %swap3A_74, %swap3A_75] : memref<1x768x1024xf32, #tpu.memory_space<vmem>>, vector<1x256x1024xf32>
        %swap3A_77 = vector.shape_cast %swap3A_76 : vector<1x256x1024xf32> to vector<256x1024xf32>
        %swap3A_78 = vector.shape_cast %mul3A_73 : vector<256x1024xf32> to vector<1x256x1024xf32>
        tpu.vector_store %arg9[%swap3A, %swap3A_74, %swap3A_75], %swap3A_78 {strides = array<i32>} : memref<1x768x1024xf32, #tpu.memory_space<vmem>>, vector<1x256x1024xf32>,
      } else {
      }
    } else {
    }
    %gt3A_25 = arith.constant 512 : i32
    %gt3A_26 = arith.cmpi sgt, %get3A_1, %gt3A_25 : i32
    %convert_element_type3A_27 = arith.extui %gt3A_26 : i1 to i32
    %cond3A_28 = arith.constant 0 : i32
    %cond3A_29 = arith.cmpi ne, %convert_element_type3A_27, %cond3A_28 : i32
    scf.if %cond3A_29 {
      %get3A_30 = arith.constant 512 : index
      %get3A_31 = arith.constant 0 : index
      %get3A_32 = vector.load %arg10[%get3A_30, %get3A_31] : memref<768x1024xbf16, #tpu.memory_space<vmem>>, vector<128x1024xbf16>
      %dot_general3A = arith.constant dense<0.000000e+00> : vector<128x2048xf32>
      %dot_general3A_33 = tpu.matmul %get3A_32, %convert_element_type3A_9, %dot_general3A {dimension_numbers = #tpu.dot_dimension_numbers<[1], [0], [0], [1], [0, 0, 1, 1], [], []>, transpose_lhs_hint = false} : vector<128x1024xbf16>, vector<1024x2048xbf16>, vector<128x2048xf32> -> vector<128x2048xf32>
      %get3A_34 = arith.constant 0 : index
      %get3A_35 = arith.constant 0 : index
      %get3A_36 = arith.constant 0 : index
      %get3A_37 = vector.load %arg5[%get3A_34, %get3A_35, %get3A_36] : memref<1x1x2048xf32, #tpu.memory_space<vmem>>, vector<1x1x2048xf32>
      %get3A_38 = vector.shape_cast %get3A_37 : vector<1x1x2048xf32> to vector<1x2048xf32>
      %add3A = vector.broadcast %get3A_38 : vector<1x2048xf32> to vector<128x2048xf32>
      %add3A_39 = arith.addf %dot_general3A_33, %add3A : vector<128x2048xf32>
      %max3A = arith.constant 0.000000e+00 : f32
      %max3A_40 = vector.broadcast %max3A : f32 to vector<128x2048xf32>
      %max3A_41 = arith.maximumf %add3A_39, %max3A_40 : vector<128x2048xf32>
      %convert_element_type3A_42 = arith.truncf %max3A_41 : vector<128x2048xf32> to vector<128x2048xbf16>
      %dot_general3A_43 = arith.constant dense<0.000000e+00> : vector<128x1024xf32>
      %dot_general3A_44 = tpu.matmul %convert_element_type3A_42, %convert_element_type3A_15, %dot_general3A_43 {dimension_numbers = #tpu.dot_dimension_numbers<[1], [0], [0], [1], [0, 0, 1, 1], [], []>, transpose_lhs_hint = false} : vector<128x2048xbf16>, vector<2048x1024xbf16>, vector<128x1024xf32> -> vector<128x1024xf32>
      %eq3A_45 = arith.constant 0 : i32
      %eq3A_46 = arith.cmpi eq, %arg1, %eq3A_45 : i32
      %convert_element_type3A_47 = arith.extui %eq3A_46 : i1 to i32
      %cond3A_48 = arith.constant 0 : i32
      %cond3A_49 = arith.cmpi ne, %convert_element_type3A_47, %cond3A_48 : i32
      scf.if %cond3A_49 {
        %swap3A = arith.constant 0 : index
        %swap3A_55 = arith.constant 512 : index
        %swap3A_56 = arith.constant 0 : index
        %swap3A_57 = vector.load %arg9[%swap3A, %swap3A_55, %swap3A_56] : memref<1x768x1024xf32, #tpu.memory_space<vmem>>, vector<1x128x1024xf32>
        %swap3A_58 = vector.shape_cast %swap3A_57 : vector<1x128x1024xf32> to vector<128x1024xf32>
        %swap3A_59 = vector.shape_cast %dot_general3A_44 : vector<128x1024xf32> to vector<1x128x1024xf32>
        tpu.vector_store %arg9[%swap3A, %swap3A_55, %swap3A_56], %swap3A_59 {strides = array<i32>} : memref<1x768x1024xf32, #tpu.memory_space<vmem>>, vector<1x128x1024xf32>,
      } else {
      }
      %gt3A_50 = arith.constant 0 : i32
      %gt3A_51 = arith.cmpi sgt, %arg1, %gt3A_50 : i32
      %convert_element_type3A_52 = arith.extui %gt3A_51 : i1 to i32
      %cond3A_53 = arith.constant 0 : i32
      %cond3A_54 = arith.cmpi ne, %convert_element_type3A_52, %cond3A_53 : i32
      scf.if %cond3A_54 {
        %get3A_55 = arith.constant 0 : index
        %get3A_56 = arith.constant 512 : index
        %get3A_57 = arith.constant 0 : index
        %get3A_58 = vector.load %arg8[%get3A_55, %get3A_56, %get3A_57] : memref<1x768x128xf32, #tpu.memory_space<vmem>>, vector<1x128x1xf32>
        %get3A_59 = vector.shape_cast %get3A_58 : vector<1x128x1xf32> to vector<128x1xf32>
        %get3A_60 = arith.constant 0 : index
        %get3A_61 = arith.constant 512 : index
        %get3A_62 = arith.constant 0 : index
        %get3A_63 = vector.load %arg9[%get3A_60, %get3A_61, %get3A_62] : memref<1x768x1024xf32, #tpu.memory_space<vmem>>, vector<1x128x1024xf32>
        %get3A_64 = vector.shape_cast %get3A_63 : vector<1x128x1024xf32> to vector<128x1024xf32>
        %add3A_65 = arith.addf %get3A_64, %dot_general3A_44 : vector<128x1024xf32>
        %get3A_66 = arith.constant 0 : index
        %get3A_67 = arith.constant 0 : index
        %get3A_68 = arith.constant 0 : index
        %get3A_69 = vector.load %arg7[%get3A_66, %get3A_67, %get3A_68] : memref<1x1x1024xf32, #tpu.memory_space<vmem>>, vector<1x1x1024xf32>
        %get3A_70 = vector.shape_cast %get3A_69 : vector<1x1x1024xf32> to vector<1x1024xf32>
        %add3A_71 = vector.broadcast %get3A_70 : vector<1x1024xf32> to vector<128x1024xf32>
        %add3A_72 = arith.addf %add3A_65, %add3A_71 : vector<128x1024xf32>
        %mul3A = vector.broadcast %get3A_59 : vector<128x1xf32> to vector<128x1024xf32>
        %mul3A_73 = arith.mulf %add3A_72, %mul3A : vector<128x1024xf32>
        %swap3A = arith.constant 0 : index
        %swap3A_74 = arith.constant 512 : index
        %swap3A_75 = arith.constant 0 : index
        %swap3A_76 = vector.load %arg9[%swap3A, %swap3A_74, %swap3A_75] : memref<1x768x1024xf32, #tpu.memory_space<vmem>>, vector<1x128x1024xf32>
        %swap3A_77 = vector.shape_cast %swap3A_76 : vector<1x128x1024xf32> to vector<128x1024xf32>
        %swap3A_78 = vector.shape_cast %mul3A_73 : vector<128x1024xf32> to vector<1x128x1024xf32>
        tpu.vector_store %arg9[%swap3A, %swap3A_74, %swap3A_75], %swap3A_78 {strides = array<i32>} : memref<1x768x1024xf32, #tpu.memory_space<vmem>>, vector<1x128x1024xf32>,
      } else {
      }
    } else {
    }
    return
  }
  func.func @transform_0(%arg0: i32, %arg1: i32) -> (i32, i32) {
    %c0_i32 = arith.constant 0 : i32
    %c0_i32_0 = arith.constant 0 : i32
    %c0_i32_1 = arith.constant 0 : i32
    return %c0_i32, %c0_i32_0 : i32, i32
  }
  func.func @transform_1(%arg0: i32, %arg1: i32) -> (i32, i32, i32) {
    %c0_i32 = arith.constant 0 : i32
    %c0_i32_0 = arith.constant 0 : i32
    %c0_i32_1 = arith.constant 0 : i32
    return %arg0, %c0_i32, %c0_i32_0 : i32, i32, i32
  }
  func.func @transform_2(%arg0: i32, %arg1: i32) -> (i32, i32, i32) {
    %c0_i32 = arith.constant 0 : i32
    %c0_i32_0 = arith.constant 0 : i32
    return %arg0, %c0_i32, %arg1 : i32, i32, i32
  }
  func.func @transform_3(%arg0: i32, %arg1: i32) -> (i32, i32, i32) {
    %mul3A = arith.constant 2 : i32
    %mul3A_0 = arith.muli %arg0, %mul3A : i32
    %add3A = arith.addi %mul3A_0, %arg1 : i32
    %c0_i32 = arith.constant 0 : i32
    %c0_i32_1 = arith.constant 0 : i32
    %c0_i32_2 = arith.constant 0 : i32
    return %add3A, %c0_i32, %c0_i32_1 : i32, i32, i32
  }
  func.func @transform_4(%arg0: i32, %arg1: i32) -> (i32, i32, i32) {
    %c0_i32 = arith.constant 0 : i32
    %c0_i32_0 = arith.constant 0 : i32
    return %arg0, %arg1, %c0_i32 : i32, i32, i32
  }
  func.func @transform_5(%arg0: i32, %arg1: i32) -> (i32, i32, i32) {
    %c0_i32 = arith.constant 0 : i32
    %c0_i32_0 = arith.constant 0 : i32
    %c0_i32_1 = arith.constant 0 : i32
    return %arg0, %c0_i32, %c0_i32_0 : i32, i32, i32
  }
  func.func @transform_6(%arg0: i32, %arg1: i32) -> (i32, i32, i32) {
    %c0_i32 = arith.constant 0 : i32
    %c0_i32_0 = arith.constant 0 : i32
    %c0_i32_1 = arith.constant 0 : i32
    return %arg0, %c0_i32, %c0_i32_0 : i32, i32, i32
  }
  func.func @transform_7(%arg0: i32, %arg1: i32) -> (i32, i32, i32) {
    %c0_i32 = arith.constant 0 : i32
    %c0_i32_0 = arith.constant 0 : i32
    %c0_i32_1 = arith.constant 0 : i32
    return %arg0, %c0_i32, %c0_i32_0 : i32, i32, i32
  }
}

module attributes {stable_mosaic.version = 14 : i64} {
  func.func @_router_body(%arg0: i32, %arg1: memref<512x1024xf32, #tpu.memory_space<vmem>>, %arg2: memref<1024x8xf32, #tpu.memory_space<vmem>>, %arg3: memref<1x8xf32, #tpu.memory_space<vmem>>, %arg4: memref<1x1x512xi32, #tpu.memory_space<vmem>>, %arg5: memref<1x1x512xi32, #tpu.memory_space<vmem>>, %arg6: memref<512x128xf32, #tpu.memory_space<vmem>>, %arg7: memref<1x8xi32, #tpu.memory_space<vmem>>, %arg8: memref<1x1xf32, #tpu.memory_space<vmem>>, %arg9: memref<1x8xf32, #tpu.memory_space<vmem>>, %arg10: memref<1x8xf32, #tpu.memory_space<vmem>>, %arg11: memref<512x512xf32, #tpu.memory_space<vmem>>) attributes {dimension_semantics = [#tpu.dimension_semantics<arbitrary>], iteration_bounds = array<i64: 8>, scalar_prefetch = 0 : i64, scratch_operands = 3 : i64, tpu.core_type = #tpu.core_type<tc>, window_params = [{transform_indices = @transform_0, window_bounds = array<i64: 512, 1024>}, {pipeline_mode = #tpu.pipeline_mode<synchronous>, transform_indices = @transform_1, window_bounds = array<i64: 1024, 8>}, {pipeline_mode = #tpu.pipeline_mode<synchronous>, transform_indices = @transform_2, window_bounds = array<i64: 1, 8>}, {transform_indices = @transform_3, window_bounds = array<i64: 1, 1, 512>}, {transform_indices = @transform_4, window_bounds = array<i64: 1, 1, 512>}, {transform_indices = @transform_5, window_bounds = array<i64: 512, 128>}, {pipeline_mode = #tpu.pipeline_mode<synchronous>, transform_indices = @transform_6, window_bounds = array<i64: 1, 8>}, {pipeline_mode = #tpu.pipeline_mode<synchronous>, transform_indices = @transform_7, window_bounds = array<i64: 1, 1>}]} {
    %eq3A = arith.constant 0 : i32
    %eq3A_0 = arith.cmpi eq, %arg0, %eq3A : i32
    %convert_element_type3A = arith.extui %eq3A_0 : i1 to i32
    %cond3A = arith.constant 0 : i32
    %cond3A_1 = arith.cmpi ne, %convert_element_type3A, %cond3A : i32
    scf.if %cond3A_1 {
      %broadcast_in_dim3A_96 = arith.constant 0.000000e+00 : f32
      %broadcast_in_dim3A_97 = vector.broadcast %broadcast_in_dim3A_96 : f32 to vector<1x8xf32>
      %swap3A_98 = arith.constant 0 : index
      %swap3A_99 = arith.constant 0 : index
      %swap3A_100 = vector.load %arg9[%swap3A_98, %swap3A_99] : memref<1x8xf32, #tpu.memory_space<vmem>>, vector<1x8xf32>
      tpu.vector_store %arg9[%swap3A_98, %swap3A_99], %broadcast_in_dim3A_97 {strides = array<i32>} : memref<1x8xf32, #tpu.memory_space<vmem>>, vector<1x8xf32>,
      %broadcast_in_dim3A_101 = arith.constant 0.000000e+00 : f32
      %broadcast_in_dim3A_102 = vector.broadcast %broadcast_in_dim3A_101 : f32 to vector<1x8xf32>
      %swap3A_103 = arith.constant 0 : index
      %swap3A_104 = arith.constant 0 : index
      %swap3A_105 = vector.load %arg10[%swap3A_103, %swap3A_104] : memref<1x8xf32, #tpu.memory_space<vmem>>, vector<1x8xf32>
      tpu.vector_store %arg10[%swap3A_103, %swap3A_104], %broadcast_in_dim3A_102 {strides = array<i32>} : memref<1x8xf32, #tpu.memory_space<vmem>>, vector<1x8xf32>,
      %iota3A_106 = tpu.iota {dimensions = array<i32: 0>} : vector<512x512xi32>
      %iota3A_107 = tpu.iota {dimensions = array<i32: 1>} : vector<512x512xi32>
      %gt3A = arith.cmpi sgt, %iota3A_106, %iota3A_107 : vector<512x512xi32>
      %convert_element_type3A_108 = arith.extui %gt3A : vector<512x512xi1> to vector<512x512xi32>
      %convert_element_type3A_109 = arith.sitofp %convert_element_type3A_108 : vector<512x512xi32> to vector<512x512xf32>
      %swap3A_110 = arith.constant 0 : index
      %swap3A_111 = arith.constant 0 : index
      %swap3A_112 = vector.load %arg11[%swap3A_110, %swap3A_111] : memref<512x512xf32, #tpu.memory_space<vmem>>, vector<512x512xf32>
      tpu.vector_store %arg11[%swap3A_110, %swap3A_111], %convert_element_type3A_109 {strides = array<i32>} : memref<512x512xf32, #tpu.memory_space<vmem>>, vector<512x512xf32>,
    } else {
    }
    %get3A = arith.constant 0 : index
    %get3A_2 = arith.constant 0 : index
    %get3A_3 = vector.load %arg1[%get3A, %get3A_2] : memref<512x1024xf32, #tpu.memory_space<vmem>>, vector<512x1024xf32>
    %get3A_4 = arith.constant 0 : index
    %get3A_5 = arith.constant 0 : index
    %get3A_6 = vector.load %arg2[%get3A_4, %get3A_5] : memref<1024x8xf32, #tpu.memory_space<vmem>>, vector<1024x8xf32>
    %dot_general3A = arith.constant dense<0.000000e+00> : vector<512x8xf32>
    %dot_general3A_7 = tpu.matmul %get3A_3, %get3A_6, %dot_general3A {dimension_numbers = #tpu.dot_dimension_numbers<[1], [0], [0], [1], [0, 0, 1, 1], [], []>, transpose_lhs_hint = false} : vector<512x1024xf32>, vector<1024x8xf32>, vector<512x8xf32> -> vector<512x8xf32>
    %get3A_8 = arith.constant 0 : index
    %get3A_9 = arith.constant 0 : index
    %get3A_10 = vector.load %arg3[%get3A_8, %get3A_9] : memref<1x8xf32, #tpu.memory_space<vmem>>, vector<1x8xf32>
    %add3A = vector.broadcast %get3A_10 : vector<1x8xf32> to vector<512x8xf32>
    %add3A_11 = arith.addf %dot_general3A_7, %add3A : vector<512x8xf32>
    %reduce_max3A = arith.constant dense<0xFF800000> : vector<512xf32>
    %reduce_max3A_12 = vector.multi_reduction <maximumf>, %add3A_11, %reduce_max3A [1] : vector<512x8xf32> to vector<512xf32>
    %broadcast_in_dim3A = vector.shape_cast %reduce_max3A_12 : vector<512xf32> to vector<512x1xf32>
    %sub3A = vector.broadcast %broadcast_in_dim3A : vector<512x1xf32> to vector<512x8xf32>
    %sub3A_13 = arith.subf %add3A_11, %sub3A : vector<512x8xf32>
    %exp3A = math.exp %sub3A_13 : vector<512x8xf32>
    %reduce_sum3A = arith.constant dense<0.000000e+00> : vector<512xf32>
    %reduce_sum3A_14 = vector.multi_reduction <add>, %exp3A, %reduce_sum3A [1] : vector<512x8xf32> to vector<512xf32>
    %broadcast_in_dim3A_15 = vector.shape_cast %reduce_sum3A_14 : vector<512xf32> to vector<512x1xf32>
    %div3A = vector.broadcast %broadcast_in_dim3A_15 : vector<512x1xf32> to vector<512x8xf32>
    %div3A_16 = arith.divf %exp3A, %div3A : vector<512x8xf32>
    %reduce_max3A_17 = arith.constant dense<0xFF800000> : vector<512xf32>
    %reduce_max3A_18 = vector.multi_reduction <maximumf>, %div3A_16, %reduce_max3A_17 [1] : vector<512x8xf32> to vector<512xf32>
    %broadcast_in_dim3A_19 = vector.shape_cast %reduce_max3A_18 : vector<512xf32> to vector<512x1xf32>
    %iota3A = tpu.iota {dimensions = array<i32: 1>} : vector<512x8xi32>
    %eq3A_20 = vector.broadcast %broadcast_in_dim3A_19 : vector<512x1xf32> to vector<512x8xf32>
    %eq3A_21 = arith.cmpf oeq, %div3A_16, %eq3A_20 : vector<512x8xf32>
    %jit3A = arith.constant 8 : i32
    %broadcast_in_dim3A_22 = vector.broadcast %jit3A : i32 to vector<512x8xi32>
    %select_n3A = arith.select %eq3A_21, %iota3A, %broadcast_in_dim3A_22 : vector<512x8xi1>, vector<512x8xi32>
    %reduce_min3A = arith.constant dense<2147483647> : vector<512xi32>
    %reduce_min3A_23 = vector.multi_reduction <minsi>, %select_n3A, %reduce_min3A [1] : vector<512x8xi32> to vector<512xi32>
    %broadcast_in_dim3A_24 = vector.shape_cast %reduce_min3A_23 : vector<512xi32> to vector<512x1xi32>
    %eq3A_25 = vector.broadcast %broadcast_in_dim3A_24 : vector<512x1xi32> to vector<512x8xi32>
    %eq3A_26 = arith.cmpi eq, %iota3A, %eq3A_25 : vector<512x8xi32>
    %convert_element_type3A_27 = arith.extui %eq3A_26 : vector<512x8xi1> to vector<512x8xi32>
    %convert_element_type3A_28 = arith.sitofp %convert_element_type3A_27 : vector<512x8xi32> to vector<512x8xf32>
    %get3A_29 = arith.constant 0 : index
    %get3A_30 = arith.constant 0 : index
    %get3A_31 = vector.load %arg11[%get3A_29, %get3A_30] : memref<512x512xf32, #tpu.memory_space<vmem>>, vector<512x512xf32>
    %dot_general3A_32 = arith.constant dense<0.000000e+00> : vector<512x8xf32>
    %dot_general3A_33 = tpu.matmul %get3A_31, %convert_element_type3A_28, %dot_general3A_32 {dimension_numbers = #tpu.dot_dimension_numbers<[1], [0], [0], [1], [0, 0, 1, 1], [], []>, transpose_lhs_hint = false} : vector<512x512xf32>, vector<512x8xf32>, vector<512x8xf32> -> vector<512x8xf32>
    %get3A_34 = arith.constant 0 : index
    %get3A_35 = arith.constant 0 : index
    %get3A_36 = vector.load %arg9[%get3A_34, %get3A_35] : memref<1x8xf32, #tpu.memory_space<vmem>>, vector<1x8xf32>
    %add3A_37 = vector.broadcast %get3A_36 : vector<1x8xf32> to vector<512x8xf32>
    %add3A_38 = arith.addf %dot_general3A_33, %add3A_37 : vector<512x8xf32>
    %mul3A = arith.mulf %add3A_38, %convert_element_type3A_28 : vector<512x8xf32>
    %reduce_sum3A_39 = arith.constant dense<0.000000e+00> : vector<512xf32>
    %reduce_sum3A_40 = vector.multi_reduction <add>, %mul3A, %reduce_sum3A_39 [1] : vector<512x8xf32> to vector<512xf32>
    %convert_element_type3A_41 = arith.fptosi %reduce_sum3A_40 : vector<512xf32> to vector<512xi32>
    %get3A_42 = arith.constant 0 : index
    %get3A_43 = arith.constant 0 : index
    %get3A_44 = vector.load %arg9[%get3A_42, %get3A_43] : memref<1x8xf32, #tpu.memory_space<vmem>>, vector<1x8xf32>
    %reduce_sum3A_45 = arith.constant dense<0.000000e+00> : vector<8xf32>
    %reduce_sum3A_46 = vector.multi_reduction <add>, %convert_element_type3A_28, %reduce_sum3A_45 [0] : vector<512x8xf32> to vector<8xf32>
    %broadcast_in_dim3A_47 = vector.shape_cast %reduce_sum3A_46 : vector<8xf32> to vector<1x8xf32>
    %add3A_48 = arith.addf %get3A_44, %broadcast_in_dim3A_47 : vector<1x8xf32>
    %swap3A = arith.constant 0 : index
    %swap3A_49 = arith.constant 0 : index
    %swap3A_50 = vector.load %arg9[%swap3A, %swap3A_49] : memref<1x8xf32, #tpu.memory_space<vmem>>, vector<1x8xf32>
    tpu.vector_store %arg9[%swap3A, %swap3A_49], %add3A_48 {strides = array<i32>} : memref<1x8xf32, #tpu.memory_space<vmem>>, vector<1x8xf32>,
    %get3A_51 = arith.constant 0 : index
    %get3A_52 = arith.constant 0 : index
    %get3A_53 = vector.load %arg10[%get3A_51, %get3A_52] : memref<1x8xf32, #tpu.memory_space<vmem>>, vector<1x8xf32>
    %reduce_sum3A_54 = arith.constant dense<0.000000e+00> : vector<8xf32>
    %reduce_sum3A_55 = vector.multi_reduction <add>, %div3A_16, %reduce_sum3A_54 [0] : vector<512x8xf32> to vector<8xf32>
    %broadcast_in_dim3A_56 = vector.shape_cast %reduce_sum3A_55 : vector<8xf32> to vector<1x8xf32>
    %add3A_57 = arith.addf %get3A_53, %broadcast_in_dim3A_56 : vector<1x8xf32>
    %swap3A_58 = arith.constant 0 : index
    %swap3A_59 = arith.constant 0 : index
    %swap3A_60 = vector.load %arg10[%swap3A_58, %swap3A_59] : memref<1x8xf32, #tpu.memory_space<vmem>>, vector<1x8xf32>
    tpu.vector_store %arg10[%swap3A_58, %swap3A_59], %add3A_57 {strides = array<i32>} : memref<1x8xf32, #tpu.memory_space<vmem>>, vector<1x8xf32>,
    %lt3A = arith.constant 640 : i32
    %lt3A_61 = vector.broadcast %lt3A : i32 to vector<512xi32>
    %lt3A_62 = arith.cmpi slt, %convert_element_type3A_41, %lt3A_61 : vector<512xi32>
    %mul3A_63 = arith.constant 768 : i32
    %mul3A_64 = vector.broadcast %mul3A_63 : i32 to vector<512xi32>
    %mul3A_65 = arith.muli %reduce_min3A_23, %mul3A_64 : vector<512xi32>
    %jit3A_66 = arith.constant 640 : i32
    %broadcast_in_dim3A_67 = vector.broadcast %jit3A_66 : i32 to vector<512xi32>
    %select_n3A_68 = arith.select %lt3A_62, %convert_element_type3A_41, %broadcast_in_dim3A_67 : vector<512xi1>, vector<512xi32>
    %add3A_69 = arith.addi %mul3A_65, %select_n3A_68 : vector<512xi32>
    %reshape3A = vector.shape_cast %add3A_69 : vector<512xi32> to vector<1x1x512xi32>
    %swap3A_70 = arith.constant 0 : index
    %swap3A_71 = arith.constant 0 : index
    %swap3A_72 = arith.constant 0 : index
    %swap3A_73 = vector.load %arg4[%swap3A_70, %swap3A_71, %swap3A_72] : memref<1x1x512xi32, #tpu.memory_space<vmem>>, vector<1x1x512xi32>
    tpu.vector_store %arg4[%swap3A_70, %swap3A_71, %swap3A_72], %reshape3A {strides = array<i32>} : memref<1x1x512xi32, #tpu.memory_space<vmem>>, vector<1x1x512xi32>,
    %mul3A_74 = arith.constant 768 : i32
    %mul3A_75 = vector.broadcast %mul3A_74 : i32 to vector<512xi32>
    %mul3A_76 = arith.muli %reduce_min3A_23, %mul3A_75 : vector<512xi32>
    %jit3A_77 = arith.constant 641 : i32
    %broadcast_in_dim3A_78 = vector.broadcast %jit3A_77 : i32 to vector<512xi32>
    %select_n3A_79 = arith.select %lt3A_62, %convert_element_type3A_41, %broadcast_in_dim3A_78 : vector<512xi1>, vector<512xi32>
    %add3A_80 = arith.addi %mul3A_76, %select_n3A_79 : vector<512xi32>
    %reshape3A_81 = vector.shape_cast %add3A_80 : vector<512xi32> to vector<1x1x512xi32>
    %swap3A_82 = arith.constant 0 : index
    %swap3A_83 = arith.constant 0 : index
    %swap3A_84 = arith.constant 0 : index
    %swap3A_85 = vector.load %arg5[%swap3A_82, %swap3A_83, %swap3A_84] : memref<1x1x512xi32, #tpu.memory_space<vmem>>, vector<1x1x512xi32>
    tpu.vector_store %arg5[%swap3A_82, %swap3A_83, %swap3A_84], %reshape3A_81 {strides = array<i32>} : memref<1x1x512xi32, #tpu.memory_space<vmem>>, vector<1x1x512xi32>,
    %broadcast_in_dim3A_86 = vector.shape_cast %broadcast_in_dim3A_19 : vector<512x1xf32> to vector<512x1xf32>
    %broadcast_in_dim3A_87 = vector.broadcast %broadcast_in_dim3A_86 : vector<512x1xf32> to vector<512x128xf32>
    %swap3A_88 = arith.constant 0 : index
    %swap3A_89 = arith.constant 0 : index
    %swap3A_90 = vector.load %arg6[%swap3A_88, %swap3A_89] : memref<512x128xf32, #tpu.memory_space<vmem>>, vector<512x128xf32>
    tpu.vector_store %arg6[%swap3A_88, %swap3A_89], %broadcast_in_dim3A_87 {strides = array<i32>} : memref<512x128xf32, #tpu.memory_space<vmem>>, vector<512x128xf32>,
    %eq3A_91 = arith.constant 7 : i32
    %eq3A_92 = arith.cmpi eq, %arg0, %eq3A_91 : i32
    %convert_element_type3A_93 = arith.extui %eq3A_92 : i1 to i32
    %cond3A_94 = arith.constant 0 : i32
    %cond3A_95 = arith.cmpi ne, %convert_element_type3A_93, %cond3A_94 : i32
    scf.if %cond3A_95 {
      %get3A_96 = arith.constant 0 : index
      %get3A_97 = arith.constant 0 : index
      %get3A_98 = vector.load %arg9[%get3A_96, %get3A_97] : memref<1x8xf32, #tpu.memory_space<vmem>>, vector<1x8xf32>
      %min3A = arith.constant 6.400000e+02 : f32
      %min3A_99 = vector.broadcast %min3A : f32 to vector<1x8xf32>
      %min3A_100 = arith.minimumf %get3A_98, %min3A_99 : vector<1x8xf32>
      %convert_element_type3A_101 = arith.fptosi %min3A_100 : vector<1x8xf32> to vector<1x8xi32>
      %swap3A_102 = arith.constant 0 : index
      %swap3A_103 = arith.constant 0 : index
      %swap3A_104 = vector.load %arg7[%swap3A_102, %swap3A_103] : memref<1x8xi32, #tpu.memory_space<vmem>>, vector<1x8xi32>
      tpu.vector_store %arg7[%swap3A_102, %swap3A_103], %convert_element_type3A_101 {strides = array<i32>} : memref<1x8xi32, #tpu.memory_space<vmem>>, vector<1x8xi32>,
      %get3A_105 = arith.constant 0 : index
      %get3A_106 = arith.constant 0 : index
      %get3A_107 = vector.load %arg10[%get3A_105, %get3A_106] : memref<1x8xf32, #tpu.memory_space<vmem>>, vector<1x8xf32>
      %div3A_108 = arith.constant 4.096000e+03 : f32
      %div3A_109 = vector.broadcast %div3A_108 : f32 to vector<1x8xf32>
      %div3A_110 = arith.divf %get3A_107, %div3A_109 : vector<1x8xf32>
      %div3A_111 = arith.constant 4.096000e+03 : f32
      %div3A_112 = vector.broadcast %div3A_111 : f32 to vector<1x8xf32>
      %div3A_113 = arith.divf %min3A_100, %div3A_112 : vector<1x8xf32>
      %mul3A_114 = arith.mulf %div3A_110, %div3A_113 : vector<1x8xf32>
      %reduce_sum3A_115 = vector.shape_cast %mul3A_114 : vector<1x8xf32> to vector<1x1x8xf32>
      %reduce_sum3A_116 = arith.constant dense<0.000000e+00> : vector<1xf32>
      %reduce_sum3A_117 = vector.multi_reduction <add>, %reduce_sum3A_115, %reduce_sum3A_116 [1, 2] : vector<1x1x8xf32> to vector<1xf32>
      %reduce_sum3A_118 = vector.shape_cast %reduce_sum3A_117 : vector<1xf32> to vector<1x1x1xf32>
      %reduce_sum3A_119 = vector.extract %reduce_sum3A_118[0, 0, 0] : f32 from vector<1x1x1xf32>
      %mul3A_120 = arith.constant 8.000000e+00 : f32
      %mul3A_121 = arith.mulf %reduce_sum3A_119, %mul3A_120 : f32
      %reshape3A_122 = vector.broadcast %mul3A_121 : f32 to vector<1x1xf32>
      %swap3A_123 = arith.constant 0 : index
      %swap3A_124 = arith.constant 0 : index
      %swap3A_125 = vector.load %arg8[%swap3A_123, %swap3A_124] : memref<1x1xf32, #tpu.memory_space<vmem>>, vector<1x1xf32>
      tpu.vector_store %arg8[%swap3A_123, %swap3A_124], %reshape3A_122 {strides = array<i32>} : memref<1x1xf32, #tpu.memory_space<vmem>>, vector<1x1xf32>,
    } else {
    }
    return
  }
  func.func @transform_0(%arg0: i32) -> (i32, i32) {
    %c0_i32 = arith.constant 0 : i32
    %c0_i32_0 = arith.constant 0 : i32
    return %arg0, %c0_i32 : i32, i32
  }
  func.func @transform_1(%arg0: i32) -> (i32, i32) {
    %c0_i32 = arith.constant 0 : i32
    %c0_i32_0 = arith.constant 0 : i32
    %c0_i32_1 = arith.constant 0 : i32
    return %c0_i32, %c0_i32_0 : i32, i32
  }
  func.func @transform_2(%arg0: i32) -> (i32, i32) {
    %c0_i32 = arith.constant 0 : i32
    %c0_i32_0 = arith.constant 0 : i32
    %c0_i32_1 = arith.constant 0 : i32
    return %c0_i32, %c0_i32_0 : i32, i32
  }
  func.func @transform_3(%arg0: i32) -> (i32, i32, i32) {
    %c0_i32 = arith.constant 0 : i32
    %c0_i32_0 = arith.constant 0 : i32
    %c0_i32_1 = arith.constant 0 : i32
    return %arg0, %c0_i32, %c0_i32_0 : i32, i32, i32
  }
  func.func @transform_4(%arg0: i32) -> (i32, i32, i32) {
    %c0_i32 = arith.constant 0 : i32
    %c0_i32_0 = arith.constant 0 : i32
    %c0_i32_1 = arith.constant 0 : i32
    return %arg0, %c0_i32, %c0_i32_0 : i32, i32, i32
  }
  func.func @transform_5(%arg0: i32) -> (i32, i32) {
    %c0_i32 = arith.constant 0 : i32
    %c0_i32_0 = arith.constant 0 : i32
    return %arg0, %c0_i32 : i32, i32
  }
  func.func @transform_6(%arg0: i32) -> (i32, i32) {
    %c0_i32 = arith.constant 0 : i32
    %c0_i32_0 = arith.constant 0 : i32
    %c0_i32_1 = arith.constant 0 : i32
    return %c0_i32, %c0_i32_0 : i32, i32
  }
  func.func @transform_7(%arg0: i32) -> (i32, i32) {
    %c0_i32 = arith.constant 0 : i32
    %c0_i32_0 = arith.constant 0 : i32
    %c0_i32_1 = arith.constant 0 : i32
    return %c0_i32, %c0_i32_0 : i32, i32
  }
}

</mosaic_0001>

<sc_bundles>
// kernel: kernel.6.cloned.1.call-start
scs
__scs_entry_jumppad:
0x0: {  	(pc) =	sbr.rel $0x88, $3  }
0x1: {  	(tag) =	ssettag $0x0;
	lr =	simm.s32 $0x1  }
0x2: {  	[smem:$0x3F9A] =	sst lr;
	_ =	strace $0xD0000000  }
0x3: {  	_ = 	snop  }
0x4: {  	_ = 	snop  }
0x5: {  	_ = 	snop  }
0x6: {  	_ = 	snop  }
0x7: {  	_ = 	snop  }
__scs_overlays_trampoline_lowered:
0x8: {  	[smem:$0x3FA9] =	sst s0  }
0x9: {  	[smem:$0x3FAA] =	sst s1  }
0xa: {  	[smem:$0x3FAB] =	sst s2  }
0xb: {  	[smem:$0x3FAC] =	sst s3  }
0xc: {  	[smem:$0x3FAD] =	sst s4  }
0xd: {  	[smem:$0x3FAE] =	sst s5  }
0xe: {  	[smem:$0x3FAF] =	sst s6  }
0xf: {  	[smem:$0x3FB0] =	sst s7  }
0x10: {  	[smem:$0x3FB1] =	sst s8  }
0x11: {  	[smem:$0x3FB2] =	sst s9;
	s0 =	simm.s32 @!p0 $0x0  }
0x12: {  	s1 =	sld [smem:$0x3F98];
	s0 =	simm.s32 @p0 $0x1  }
0x13: {  	[smem:$0x3FB3] =	sst s0;
	s0 =	simm.s32 @!p1 $0x0  }
0x14: {  	s2 =	sld [smem:$0x3F97];
	s0 =	simm.s32 @p1 $0x1  }
0x15: {  	[smem:$0x3FB4] =	sst s0;
	s0 =	simm.s32 @!p2 $0x0  }
0x16: {  	s3 =	sld [smem:$0x3FDB];
	s0 =	simm.s32 @p2 $0x1  }
0x17: {  	s4 =	simm.s32 $0x1BF5;
	[smem:$0x3FB6] =	sst s0  }
0x18: {  	s0 =	sld [smem:$0x3F99];
	_ =	swait.ge [sflag:s4], $0x0  }
0x19: {  	s7 =	sld [smem:$0x3F9A]  }
0x1a: {  	s8 =	sadd.s32 $0xFFFFE003, lr  }
0x1b: {  	s9 =	sadd.s32 $0xFFFFFEF7, lr;
	s5 =	simm.s32 $0xFFFFFFFF;
	p2 =	slt.u32 s8, $0xFFFFF086  }
0x1c: {  	p1 =	slt.u32 s9, $0xF7A;
	s5 =	simm.s32 @!p2 $0x0  }
0x1d: {  	s5 =	simm.s32 @p1 $0x1;
	p0 =	seq.s32 s7, s2  }
0x1e: {  	s7 =	smul.u32 @!p0 $0xF7A, s2;
	p2 =	seq.s32 @!p0 s5, $0x0  }
0x1f: {  	s9 =	smul.u32 $0xF7A, s1;
	s8 =	simm.s32 @!p0 $0x1BF5;
	p2 =	por !p2, p0  }
0x20: {  	[sflag:s8] =	ssyncset.s32 @!p0 $0xFFFFF086;
	s6 =	sadd.s32 @!p0 s3, s7;
	s7 =	simm.s32 @!p0 $0x108  }
0x21: {  	s3 =	sadd.s32 s3, s9;
	s6 =	sadd.s32 @!p0 $0x88, s6;
	s7 =	simm.s32 @p2 $0x1082  }
0x22: {  	[simem:s7], [sflag:s8] =	dma.local @!p0 [hbm:s6], $0xF7A  }
0x23: {  	s9 =	sor.u32 $0xD0000000, s2;
	s6 =	simm.s32 $0x108;
	_ =	swait.ge @!p0 [sflag:s8], $0x0  }
0x24: {  	s3 =	sadd.s32 $0x88, s3;
	s6 =	simm.s32 @!p1 $0x1082;
	[sflag:s4] =	ssyncset.s32 $0xFFFFF086  }
0x25: {  	[simem:s6], [sflag:s4] =	dma.local [hbm:s3], $0xF7A  }
0x26: {  	[smem:$0x3F9A] =	sst s1;
	(tag) =	ssettag s2;
	_ =	strace s9  }
0x27: {  	s1 =	sld [smem:$0x3FAA]  }
0x28: {  	s2 =	sld [smem:$0x3FAB]  }
0x29: {  	s4 =	sld [smem:$0x3FAD]  }
0x2a: {  	p0 =	seq.s32 s5, $0x0;
	s5 =	sld [smem:$0x3FAE]  }
0x2b: {  	s6 =	sld [smem:$0x3FAF]  }
0x2c: {  	s7 =	sld [smem:$0x3FB0]  }
0x2d: {  	s3 =	simm.s32 $0x108;
	s8 =	sld [smem:$0x3FB1]  }
0x2e: {  	s3 =	simm.s32 @!p0 $0x1082;
	s9 =	sld [smem:$0x3FB2]  }
0x2f: {  	lr =	sadd.s32 s0, s3;
	s0 =	sld [smem:$0x3FA9]  }
0x30: {  	s3 =	sld [smem:$0x3FAC]  }
0x31: {  	[smem:$0x3FB5] =	sst s10  }
0x32: {  	s10 =	sld [smem:$0x3FB3];
	_ =	sdelay $0x3  }
0x33: {  	p0 =	seq.s32 s10, $0x1;
	s10 =	sld [smem:$0x3FB5];
	_ =	sdelay $0x3  }
0x34: {  	[smem:$0x3FB5] =	sst s10  }
0x35: {  	s10 =	sld [smem:$0x3FB4];
	_ =	sdelay $0x3  }
0x36: {  	p1 =	seq.s32 s10, $0x1;
	s10 =	sld [smem:$0x3FB5];
	_ =	sdelay $0x3  }
0x37: {  	[smem:$0x3FB5] =	sst s10  }
0x38: {  	s10 =	sld [smem:$0x3FB6]  }
0x39: {  	_ = 	snop;
	(pc) =	sbr.ind lr, $3  }
0x3a: {  	_ = 	snop  }
0x3b: {  	_ = 	snop  }
0x3c: {  	p2 =	seq.s32 s10, $0x1;
	s10 =	sld [smem:$0x3FB5]  }
0x3d: {  	_ =	shalt  }
0x3e: {  	_ =	shalt  }
0x3f: {  	_ =	shalt  }
0x40: {  	_ =	shalt  }
0x41: {  	_ =	shalt  }
0x42: {  	_ =	shalt  }
0x43: {  	_ =	shalt  }
0x44: {  	_ =	shalt  }
0x45: {  	_ =	shalt  }
0x46: {  	_ =	shalt  }
0x47: {  	_ =	shalt  }
0x48: {  	_ =	shalt  }
0x49: {  	_ =	shalt  }
0x4a: {  	_ =	shalt  }
0x4b: {  	_ =	shalt  }
0x4c: {  	_ =	shalt  }
0x4d: {  	_ =	shalt  }
0x4e: {  	_ =	shalt  }
0x4f: {  	_ =	shalt  }
0x50: {  	_ =	shalt  }
0x51: {  	_ =	shalt  }
0x52: {  	_ =	shalt  }
0x53: {  	_ =	shalt  }
0x54: {  	_ =	shalt  }
0x55: {  	_ =	shalt  }
0x56: {  	_ =	shalt  }
0x57: {  	_ =	shalt  }
0x58: {  	_ =	shalt  }
0x59: {  	_ =	shalt  }
0x5a: {  	_ =	shalt  }
0x5b: {  	_ =	shalt  }
0x5c: {  	_ =	shalt  }
0x5d: {  	_ =	shalt  }
0x5e: {  	_ =	shalt  }
0x5f: {  	_ =	shalt  }
0x60: {  	_ =	shalt  }
0x61: {  	_ =	shalt  }
0x62: {  	_ =	shalt  }
0x63: {  	_ =	shalt  }
0x64: {  	_ =	shalt  }
0x65: {  	_ =	shalt  }
0x66: {  	_ =	shalt  }
0x67: {  	_ =	shalt  }
0x68: {  	_ =	shalt  }
0x69: {  	_ =	shalt  }
0x6a: {  	_ =	shalt  }
0x6b: {  	_ =	shalt  }
0x6c: {  	_ =	shalt  }
0x6d: {  	_ =	shalt  }
0x6e: {  	_ =	shalt  }
0x6f: {  	_ =	shalt  }
0x70: {  	_ =	shalt  }
0x71: {  	_ =	shalt  }
0x72: {  	_ =	shalt  }
0x73: {  	_ =	shalt  }
0x74: {  	_ =	shalt  }
0x75: {  	_ =	shalt  }
0x76: {  	_ =	shalt  }
0x77: {  	_ =	shalt  }
0x78: {  	_ =	shalt  }
0x79: {  	_ =	shalt  }
0x7a: {  	_ =	shalt  }
0x7b: {  	_ =	shalt  }
0x7c: {  	_ =	shalt  }
0x7d: {  	_ =	shalt  }
0x7e: {  	_ =	shalt  }
0x7f: {  	_ =	shalt  }
0x80: {  	_ =	shalt  }
0x81: {  	_ =	shalt  }
0x82: {  	_ =	shalt  }
0x83: {  	_ =	shalt  }
0x84: {  	_ =	shalt  }
0x85: {  	_ =	shalt  }
0x86: {  	_ =	shalt  }
0x87: {  	_ =	shalt  }
.Lfunc_end0:
.L_simem_size_0:
called_computation_lowered:
.L_overlay_start_0:
0x88: {  	s2 =	sld [smem:$0x3FD9]  }
0x89: {  	s3 =	sld [smem:$0x3FFE];
	_ =	sdelay $0x1  }
0x8a: {  	s1 =	srdreg.scid  }
0x8b: {  	s0 =	sand.u32 $0x1, s1  }
0x8c: {  	s14 =	sshll.u32 s0, $0xA;
	s2 =	sadd.s32 s3, s2  }
0x8d: {  	s2 =	sadd.s32 s2, s14  }
0x8e: {  	[smem:$0x3FC1] =	sst s2  }
0x8f: {  	_ = 	snop  }
0x90: {  	s2 =	sld [smem:$0x3FD0];
	_ =	sdelay $0x2  }
0x91: {  	s4 =	simm.s32 $0xA;
	s5 =	simm.s32 $0x10;
	s15 =	sld [smem:$0x3FC9]  }
0x92: {  	[smem:s5], [sflag:s4] =	dma.local [hbm:s2], $0x1  }
0x93: {  	_ =	swait.eq [sflag:s4], $0x1  }
0x94: {  	[sflag:s4] =	ssyncset.done $0x0  }
0x95: {  	[sflag:s4] =	ssyncadd.s32 $0xFFFFFFFF  }
0x96: {  	s16 =	sld [smem:$0x10];
	(tm) =	ssettm $0x1  }
0x97: {  	s17 =	sld [smem:$0x3FFB];
	_ =	sdelay $0x3  }
0x98: {  	_ =	strace s17  }
0x99: {  	s4 =	sld [smem:$0x3FFC];
	_ =	sdelay $0x3  }
0x9a: {  	_ =	strace s4  }
0x9b: {  	s4 =	sld [smem:$0x3FFD];
	_ =	sdelay $0x3  }
0x9c: {  	_ =	strace s4  }
0x9d: {  	_ =	strace $0x8FFFFFFF  }
0x9e: {  	s18 =	sld [smem:$0x3FDB];
	_ =	sdelay $0x1  }
0x9f: {  	s19 =	simm.s32 $_scs_section_size  }
0xa0: {  	s6 =	simm.s32 $_size__tile_overlayer_lowered;
	s7 =	simm.s32 $_tile_overlayer_lowered  }
0xa1: {  	s22 =	simm.s32 $0x1BFF;
	s21 =	sshll.u32 s7, $0x1;
	s4 =	sadd.s32 s19, s18  }
0xa2: {  	s8 =	simm.s32 $0x0;
	s20 =	sshll.u32 s6, $0x1;
	s6 =	sadd.s32 s21, s4  }
0xa3: {  	[timem:s8], [sflag:s22] =	dma.local [hbm:s6], s20  }
0xa4: {  	_ =	swait.ge [sflag:s22], s20  }
0xa5: {  	s5 =	ssub.s32 $0x0, s20;
	[sflag:s22] =	ssyncset.done $0x0  }
0xa6: {  	[sflag:s22] =	ssyncadd.s32 s5;
	_ =	sdelay $0x1  }
0xa7: {  	s23 =	simm.s32 $0x1B8B  }
0xa8: {  	_ =	swait.ge [sflag:s23], $0x1  }
0xa9: {  	[sflag:s23] =	ssyncset.done $0x0  }
0xaa: {  	s25 =	simm.s32 $0x1B8E;
	s24 =	sld [smem:$0x3FFE];
	[sflag:s23] =	ssyncadd.s32 $0xFFFFFFFF  }
0xab: {  	s26 =	simm.s32 $execute0_lowered;
	[smem:$0x3FD2] =	sst s25  }
0xac: {  	s6 =	sshll.u32 s26, $0x1;
	_ =	strace $0x80000046;
	[dreg:$0x1] =	wrdreg $0xFFFFFFFF  }
0xad: {  	s28 =	simm.s32 $_size_execute0_lowered;
	s4 =	sadd.s32 s4, s6;
	[dreg:$0x0] =	wrdreg $0x0  }
0xae: {  	s6 =	sshll.u32 s28, $0x1;
	[dreg:$0x2] =	wrdreg s4  }
0xaf: {  	[dreg:$0x3] =	wrdreg s6  }
0xb0: {  	[dreg:$0x4] =	wrdreg $0xC0  }
0xb1: {  	_ =	task [dreg:s8], $0x5FFFF  }
0xb2: {  	[dreg:$0x1] =	wrdreg $0xFFFFFFFF  }
0xb3: {  	[dreg:$0x0] =	wrdreg $0x60  }
0xb4: {  	[dreg:$0x2] =	wrdreg s15  }
0xb5: {  	[dreg:$0x3] =	wrdreg s24  }
0xb6: {  	[dreg:$0x4] =	wrdreg s16  }
0xb7: {  	[dreg:$0x5] =	wrdreg $0x9  }
0xb8: {  	_ =	task.clear_ibuf [dreg:s8], $0x6FFFF;
	_ =	strace $0x90000046  }
0xb9: {  	s29 =	simm.s32 $0x9;
	_ =	strace $0x80000048  }
0xba: {  	_ =	swait.ge [sflag:s29], $0x1  }
0xbb: {  	[sflag:s29] =	ssyncadd.s32 $0xFFFFFFFF  }
0xbc: {  	_ =	strace $0x90000048  }
0xbd: {  	_ =	sfence  }
0xbe: {  	s30 =	sld [smem:$0x0];
	_ =	sdelay $0x2  }
0xbf: {  	s31 =	sshll.u32 s1, $0xD;
	s1 =	sshrl.u32 s1, $0x2  }
0xc0: {  	s3 =	sand.u32 $0x4000, s31;
	s1 =	sadd.s32 s1, s30  }
0xc1: {  	s0 =	sor.u32 s3, s0;
	s1 =	sshll.u32 s1, $0x11  }
0xc2: {  	s0 =	sor.u32 s1, s0  }
0xc3: {  	s0 =	sadd.s32 $0x8F2B, s0  }
0xc4: {  	[sflag:s0] =	ssyncadd.remote.s32 $0x1  }
0xc5: {  	_ =	sfence.sel $0xFFFF  }
0xc6: {  	[dreg:$0x0] =	wrdreg $0xFFFFFFFF;
	(pc) =	sbr.abs _section_cstart, $3  }
0xc7: {  	[dreg:$0x1] =	wrdreg $0xFFFFFFFF  }
0xc8: {  	_ =	task.clear_ibuf [dreg:s8], $0x2FFFF;
	_ =	strace $0x9FFFFFFF  }
0xc9: {  	(tm) =	ssettm $0x7FFFFFFF  }
tec
execute0_lowered:
.L_overlay_start_1:
0x0: {  	(tag) =	ssettag $0x1  }
0x1: {  	s0 =	rddreg [dreg:$0x0]  }
0x2: {  	s1 =	rddreg [dreg:$0x1];
	s3 =	simm.s32 $0x0;
	s2 =	srdreg.scid  }
0x3: {  	s4 =	stileid.u32;
	s28 =	simm.s32 $0x1080;
	s29 =	simm.s32 $0x1880  }
0x4: {  	s30 =	simm.s32 $0x2080;
	s31 =	simm.s32 $0x2880;
	s12 =	simm.s32 $0x4880  }
0x5: {  	s13 =	simm.s32 $0x5080;
	s14 =	simm.s32 $0x5880;
	s15 =	simm.s32 $0x6080  }
0x6: {  	s16 =	simm.s32 $0x6880;
	s17 =	simm.s32 $0x7080;
	s18 =	simm.s32 $0x7880  }
0x7: {  	[smem:$0x7FF] =	sst s3;
	s2 =	sand.u32 $0x1, s2;
	s8 =	sadd.s32 $0x1E00, s1  }
0x8: {  	s4 =	sshll.u32 s4, $0x8;
	s7 =	sadd.s32 $0x11E00, s1;
	s5 =	sshll.u32 s2, $0x7  }
0x9: {  	_ =	strace $0x80000047;
	s2 =	ssub.s32 $0x2, s2;
	s5 =	sor.u32 s5, s4  }
0xa: {  	s4 =	sadd.s32 $0x12400, s1;
	s6 =	sshrl.u32 s2, $0x1;
	s9 =	sshrl.u32 s5, $0x3  }
0xb: {  	s2 =	ssub.s32 s2, s6;
	s20 =	sshll.u32 s5, $0x7;
	s22 =	sshll.u32 s5, $0x4  }
0xc: {  	s24 =	sor.u32 $0x40, s5;
	s5 =	sadd.s32 $0x12500, s1;
	s6 =	sadd.s32 $0x12600, s1  }
0xd: {  	s19 =	sadd.s32 s7, s9;
	s21 =	sadd.s32 s0, s20;
	s23 =	sadd.s32 s8, s22  }
0xe: {  	s10 =	sshrl.u32 s24, $0x3;
	s25 =	sshll.u32 s24, $0x7;
	[dreg:$0x4] =	wrdreg s19  }
0xf: {  	s9 =	sshll.u32 s24, $0x4;
	s22 =	simm.s32 $0x1;
	[dreg:$0x5] =	wrdreg s21  }
0x10: {  	s20 =	simm.s32 $0x8880;
	[dreg:$0x6] =	wrdreg s23;
	s7 =	sadd.s32 s7, s10  }
0x11: {  	s0 =	sadd.s32 s0, s25;
	s26 =	sadd.s32 s8, s9;
	s8 =	smax.u32 s2, $0x1  }
0x12: {  	s9 =	simm.s32 $0x3;
	s23 =	simm.s32 $0x2;
	s2 =	simm.s32 $0x3880  }
0x13: {  	v2 =	vlaneseq.u32;
	s19 =	simm.s32 $0x8080;
	s21 =	simm.s32 $0x9080;
	[dreg:$0x7] =	wrdreg s7  }
0x14: {  	vm0 =	vmmov $0xffff;
	v1 =	vshrl.u32 v2, $0x3;
	s10 =	simm.s32 $0x9880;
	s7 =	sadd.s32 $0x12700, s1;
	[dreg:$0x8] =	wrdreg s0  }
0x15: {  	v0 =	vand.u32 $0x7, v2;
	v2 =	vor.u32 $0x8, v2;
	v1 =	vmul.u32 $0x8, v1;
	[dreg:$0x9] =	wrdreg s26;
	s0 =	simm.s32 $0x10080;
	s26 =	simm.s32 $0x880  }
.LBB2_1:
0x16: {  	s24 =	rddreg [dreg:$0x4]  }
0x17: {  	[tilespmem:s3], [sflag:$0x3] =	stream.linear.gather [hbm4b:s24+s3], $0x40, $0x38;
	[tilespmem:$0x12080] =	vst v63  }
0x18: {  	_ =	swait.ge [sflag:s9], $0x40  }
0x19: {  	[sflag:s9] =	ssyncset.done $0x0  }
0x1a: {  	s11 =	simm.s32 $0x80;
	s25 =	rddreg [dreg:$0x5];
	[sflag:s9] =	ssyncadd.s32 $0xFFFFFFC0  }
0x1b: {  	[tilespmem:s11], [sflag:$0x3] =	stream.linear.gather [hbm4b:s25+s3], $0x10000, $0x38;
	[tilespmem:$0x12080] =	vst v63  }
0x1c: {  	_ =	swait.ge [sflag:s9], $0x10000  }
0x1d: {  	[sflag:s9] =	ssyncset.done $0x0  }
0x1e: {  	s1 =	rddreg [dreg:$0x6];
	[sflag:s9] =	ssyncadd.s32 $0xFFFF0000  }
0x1f: {  	[tilespmem:s0], [sflag:$0x3] =	stream.linear.gather [hbm4b:s1+s3], $0x2000, $0x38;
	[tilespmem:$0x12080] =	vst v63  }
0x20: {  	_ =	swait.ge [sflag:s9], $0x2000  }
0x21: {  	[sflag:s9] =	ssyncset.done $0x0  }
0x22: {  	[sflag:s9] =	ssyncadd.s32 $0xFFFFE000  }
0x23: {  	v3 =	vld [tilespmem:$0x0];
	_ =	sdelay $0x4  }
0x24: {  	v4 =	vshll.u32 v3, $0x3  }
0x25: {  	v3 =	vand.u32 $0x7, v3;
	v4 =	vand.u32 $0xFFFFFFC0, v4  }
0x26: {  	v3 =	vor.u32 v3, v4  }
0x27: {  	v4 =	vperm.xlane v3, v0;
	_ =	sdelay $0x1  }
0x28: {  	v4 =	vadd.s32 v1, v4;
	_ =	sdelay $0x4  }
0x29: {  	[hbm4b:s4+s3] =	stream.indirect_vreg.scatter [tilespmem:s11], [sflag:$0x1], $0x80, v4, vm0, $0xb8;
	[tilespmem:$0x12080] =	vst v63  }
0x2a: {  	v3 =	vperm.xlane v3, v2  }
0x2b: {  	[hbm4b:s5+s3] =	stream.indirect_vreg.scatter [tilespmem:s26], [sflag:$0x1], $0x80, v4, vm0, $0xb8;
	[tilespmem:$0x12080] =	vst v63  }
0x2c: {  	v3 =	vadd.s32 v1, v3  }
0x2d: {  	[hbm4b:s6+s3] =	stream.indirect_vreg.scatter [tilespmem:s28], [sflag:$0x1], $0x80, v4, vm0, $0xb8;
	[tilespmem:$0x12080] =	vst v63  }
0x2e: {  	_ = 	snop  }
0x2f: {  	[hbm4b:s7+s3] =	stream.indirect_vreg.scatter [tilespmem:s29], [sflag:$0x1], $0x80, v4, vm0, $0xb8;
	[tilespmem:$0x12080] =	vst v63  }
0x30: {  	_ = 	snop  }
0x31: {  	[hbm4b:s4+s3] =	stream.indirect_vreg.scatter [tilespmem:s30], [sflag:$0x1], $0x80, v3, vm0, $0xb8;
	[tilespmem:$0x12080] =	vst v63  }
0x32: {  	_ = 	snop  }
0x33: {  	[hbm4b:s5+s3] =	stream.indirect_vreg.scatter [tilespmem:s31], [sflag:$0x1], $0x80, v3, vm0, $0xb8;
	[tilespmem:$0x12080] =	vst v63  }
0x34: {  	s1 =	simm.s32 $0x3080  }
0x35: {  	[hbm4b:s6+s3] =	stream.indirect_vreg.scatter [tilespmem:s1], [sflag:$0x1], $0x80, v3, vm0, $0xb8;
	[tilespmem:$0x12080] =	vst v63  }
0x36: {  	_ = 	snop  }
0x37: {  	[hbm4b:s7+s3] =	stream.indirect_vreg.scatter [tilespmem:s2], [sflag:$0x1], $0x80, v3, vm0, $0xb8;
	[tilespmem:$0x12080] =	vst v63  }
0x38: {  	v3 =	vld [tilespmem:$0x10];
	_ =	sdelay $0x4  }
0x39: {  	v57 =	vshll.u32 v3, $0x3  }
0x3a: {  	v3 =	vand.u32 $0x7, v3;
	v4 =	vand.u32 $0xFFFFFFC0, v57  }
0x3b: {  	v3 =	vor.u32 v3, v4  }
0x3c: {  	v4 =	vperm.xlane v3, v0;
	_ =	sdelay $0x1  }
0x3d: {  	v4 =	vadd.s32 v1, v4;
	_ =	sdelay $0x3  }
0x3e: {  	s1 =	simm.s32 $0x4080  }
0x3f: {  	[hbm4b:s4+s3] =	stream.indirect_vreg.scatter [tilespmem:s1], [sflag:$0x1], $0x80, v4, vm0, $0xb8;
	[tilespmem:$0x12080] =	vst v63  }
0x40: {  	v3 =	vperm.xlane v3, v2  }
0x41: {  	[hbm4b:s5+s3] =	stream.indirect_vreg.scatter [tilespmem:s12], [sflag:$0x1], $0x80, v4, vm0, $0xb8;
	[tilespmem:$0x12080] =	vst v63  }
0x42: {  	v3 =	vadd.s32 v1, v3  }
0x43: {  	[hbm4b:s6+s3] =	stream.indirect_vreg.scatter [tilespmem:s13], [sflag:$0x1], $0x80, v4, vm0, $0xb8;
	[tilespmem:$0x12080] =	vst v63  }
0x44: {  	_ = 	snop  }
0x45: {  	[hbm4b:s7+s3] =	stream.indirect_vreg.scatter [tilespmem:s14], [sflag:$0x1], $0x80, v4, vm0, $0xb8;
	[tilespmem:$0x12080] =	vst v63  }
0x46: {  	_ = 	snop  }
0x47: {  	[hbm4b:s4+s3] =	stream.indirect_vreg.scatter [tilespmem:s15], [sflag:$0x1], $0x80, v3, vm0, $0xb8;
	[tilespmem:$0x12080] =	vst v63  }
0x48: {  	_ = 	snop  }
0x49: {  	[hbm4b:s5+s3] =	stream.indirect_vreg.scatter [tilespmem:s16], [sflag:$0x1], $0x80, v3, vm0, $0xb8;
	[tilespmem:$0x12080] =	vst v63  }
0x4a: {  	_ = 	snop  }
0x4b: {  	[hbm4b:s6+s3] =	stream.indirect_vreg.scatter [tilespmem:s17], [sflag:$0x1], $0x80, v3, vm0, $0xb8;
	[tilespmem:$0x12080] =	vst v63  }
0x4c: {  	_ = 	snop  }
0x4d: {  	[hbm4b:s7+s3] =	stream.indirect_vreg.scatter [tilespmem:s18], [sflag:$0x1], $0x80, v3, vm0, $0xb8;
	[tilespmem:$0x12080] =	vst v63  }
0x4e: {  	v3 =	vld [tilespmem:$0x20];
	_ =	sdelay $0x4  }
0x4f: {  	v58 =	vshll.u32 v3, $0x3  }
0x50: {  	v3 =	vand.u32 $0x7, v3;
	v4 =	vand.u32 $0xFFFFFFC0, v58  }
0x51: {  	v3 =	vor.u32 v3, v4  }
0x52: {  	v4 =	vperm.xlane v3, v0;
	_ =	sdelay $0x1  }
0x53: {  	v4 =	vadd.s32 v1, v4;
	_ =	sdelay $0x4  }
0x54: {  	[hbm4b:s4+s3] =	stream.indirect_vreg.scatter [tilespmem:s19], [sflag:$0x1], $0x80, v4, vm0, $0xb8;
	[tilespmem:$0x12080] =	vst v63  }
0x55: {  	v3 =	vperm.xlane v3, v2  }
0x56: {  	[hbm4b:s5+s3] =	stream.indirect_vreg.scatter [tilespmem:s20], [sflag:$0x1], $0x80, v4, vm0, $0xb8;
	[tilespmem:$0x12080] =	vst v63  }
0x57: {  	v3 =	vadd.s32 v1, v3  }
0x58: {  	[hbm4b:s6+s3] =	stream.indirect_vreg.scatter [tilespmem:s21], [sflag:$0x1], $0x80, v4, vm0, $0xb8;
	[tilespmem:$0x12080] =	vst v63  }
0x59: {  	_ = 	snop  }
0x5a: {  	[hbm4b:s7+s3] =	stream.indirect_vreg.scatter [tilespmem:s10], [sflag:$0x1], $0x80, v4, vm0, $0xb8;
	[tilespmem:$0x12080] =	vst v63  }
0x5b: {  	s25 =	simm.s32 $0xA080  }
0x5c: {  	[hbm4b:s4+s3] =	stream.indirect_vreg.scatter [tilespmem:s25], [sflag:$0x1], $0x80, v3, vm0, $0xb8;
	[tilespmem:$0x12080] =	vst v63  }
0x5d: {  	s25 =	simm.s32 $0xA880  }
0x5e: {  	[hbm4b:s5+s3] =	stream.indirect_vreg.scatter [tilespmem:s25], [sflag:$0x1], $0x80, v3, vm0, $0xb8;
	[tilespmem:$0x12080] =	vst v63  }
0x5f: {  	s25 =	simm.s32 $0xB080  }
0x60: {  	[hbm4b:s6+s3] =	stream.indirect_vreg.scatter [tilespmem:s25], [sflag:$0x1], $0x80, v3, vm0, $0xb8;
	[tilespmem:$0x12080] =	vst v63  }
0x61: {  	s25 =	simm.s32 $0xB880  }
0x62: {  	[hbm4b:s7+s3] =	stream.indirect_vreg.scatter [tilespmem:s25], [sflag:$0x1], $0x80, v3, vm0, $0xb8;
	[tilespmem:$0x12080] =	vst v63  }
0x63: {  	v3 =	vld [tilespmem:$0x30];
	_ =	sdelay $0x4  }
0x64: {  	v59 =	vshll.u32 v3, $0x3  }
0x65: {  	v3 =	vand.u32 $0x7, v3;
	v4 =	vand.u32 $0xFFFFFFC0, v59  }
0x66: {  	v3 =	vor.u32 v3, v4  }
0x67: {  	v4 =	vperm.xlane v3, v0;
	_ =	sdelay $0x1  }
0x68: {  	v4 =	vadd.s32 v1, v4;
	_ =	sdelay $0x3  }
0x69: {  	s25 =	simm.s32 $0xC080  }
0x6a: {  	[hbm4b:s4+s3] =	stream.indirect_vreg.scatter [tilespmem:s25], [sflag:$0x1], $0x80, v4, vm0, $0xb8;
	[tilespmem:$0x12080] =	vst v63  }
0x6b: {  	v3 =	vperm.xlane v3, v2;
	s25 =	simm.s32 $0xC880  }
0x6c: {  	[hbm4b:s5+s3] =	stream.indirect_vreg.scatter [tilespmem:s25], [sflag:$0x1], $0x80, v4, vm0, $0xb8;
	[tilespmem:$0x12080] =	vst v63  }
0x6d: {  	v3 =	vadd.s32 v1, v3;
	s25 =	simm.s32 $0xD080  }
0x6e: {  	[hbm4b:s6+s3] =	stream.indirect_vreg.scatter [tilespmem:s25], [sflag:$0x1], $0x80, v4, vm0, $0xb8;
	[tilespmem:$0x12080] =	vst v63  }
0x6f: {  	s25 =	simm.s32 $0xD880  }
0x70: {  	[hbm4b:s7+s3] =	stream.indirect_vreg.scatter [tilespmem:s25], [sflag:$0x1], $0x80, v4, vm0, $0xb8;
	[tilespmem:$0x12080] =	vst v63  }
0x71: {  	s25 =	simm.s32 $0xE080  }
0x72: {  	[hbm4b:s4+s3] =	stream.indirect_vreg.scatter [tilespmem:s25], [sflag:$0x1], $0x80, v3, vm0, $0xb8;
	[tilespmem:$0x12080] =	vst v63  }
0x73: {  	s25 =	simm.s32 $0xE880  }
0x74: {  	[hbm4b:s5+s3] =	stream.indirect_vreg.scatter [tilespmem:s25], [sflag:$0x1], $0x80, v3, vm0, $0xb8;
	[tilespmem:$0x12080] =	vst v63  }
0x75: {  	s25 =	simm.s32 $0xF080  }
0x76: {  	[hbm4b:s6+s3] =	stream.indirect_vreg.scatter [tilespmem:s25], [sflag:$0x1], $0x80, v3, vm0, $0xb8;
	[tilespmem:$0x12080] =	vst v63  }
0x77: {  	s25 =	simm.s32 $0xF880  }
0x78: {  	[hbm4b:s7+s3] =	stream.indirect_vreg.scatter [tilespmem:s25], [sflag:$0x1], $0x80, v3, vm0, $0xb8;
	[tilespmem:$0x12080] =	vst v63  }
0x79: {  	s24 =	simm.s32 $0x40;
	s25 =	rddreg [dreg:$0x2]  }
0x7a: {  	[hbm4b:s25+s24] =	stream.indirect.scatter [tilespmem:s0], [sflag:$0x2], $0x80, s3, s24, $0xb8;
	[tilespmem:$0x12080] =	vst v63  }
0x7b: {  	_ =	swait.ge [sflag:s22], $0x10000  }
0x7c: {  	[sflag:s22] =	ssyncset.done $0x0  }
0x7d: {  	[sflag:s22] =	ssyncadd.s32 $0xFFFF0000  }
0x7e: {  	_ =	swait.ge [sflag:s23], $0x2000  }
0x7f: {  	[sflag:s23] =	ssyncset.done $0x0  }
0x80: {  	s24 =	rddreg [dreg:$0x7];
	[sflag:s23] =	ssyncadd.s32 $0xFFFFE000  }
0x81: {  	[tilespmem:s3], [sflag:$0x3] =	stream.linear.gather [hbm4b:s24+s3], $0x40, $0x38;
	[tilespmem:$0x12080] =	vst v63  }
0x82: {  	_ =	swait.ge [sflag:s9], $0x40  }
0x83: {  	[sflag:s9] =	ssyncset.done $0x0  }
0x84: {  	s24 =	rddreg [dreg:$0x8];
	[sflag:s9] =	ssyncadd.s32 $0xFFFFFFC0  }
0x85: {  	[tilespmem:s11], [sflag:$0x3] =	stream.linear.gather [hbm4b:s24+s3], $0x10000, $0x38;
	[tilespmem:$0x12080] =	vst v63  }
0x86: {  	_ =	swait.ge [sflag:s9], $0x10000  }
0x87: {  	[sflag:s9] =	ssyncset.done $0x0  }
0x88: {  	s24 =	rddreg [dreg:$0x9];
	[sflag:s9] =	ssyncadd.s32 $0xFFFF0000  }
0x89: {  	[tilespmem:s0], [sflag:$0x3] =	stream.linear.gather [hbm4b:s24+s3], $0x2000, $0x38;
	[tilespmem:$0x12080] =	vst v63  }
0x8a: {  	_ =	swait.ge [sflag:s9], $0x2000  }
0x8b: {  	[sflag:s9] =	ssyncset.done $0x0  }
0x8c: {  	[sflag:s9] =	ssyncadd.s32 $0xFFFFE000  }
0x8d: {  	v3 =	vld [tilespmem:$0x0];
	_ =	sdelay $0x4  }
0x8e: {  	v60 =	vshll.u32 v3, $0x3  }
0x8f: {  	v3 =	vand.u32 $0x7, v3;
	v4 =	vand.u32 $0xFFFFFFC0, v60  }
0x90: {  	v3 =	vor.u32 v3, v4  }
0x91: {  	v4 =	vperm.xlane v3, v0;
	_ =	sdelay $0x1  }
0x92: {  	v4 =	vadd.s32 v1, v4;
	_ =	sdelay $0x4  }
0x93: {  	[hbm4b:s4+s3] =	stream.indirect_vreg.scatter [tilespmem:s11], [sflag:$0x1], $0x80, v4, vm0, $0xb8;
	[tilespmem:$0x12080] =	vst v63  }
0x94: {  	v3 =	vperm.xlane v3, v2  }
0x95: {  	[hbm4b:s5+s3] =	stream.indirect_vreg.scatter [tilespmem:s26], [sflag:$0x1], $0x80, v4, vm0, $0xb8;
	[tilespmem:$0x12080] =	vst v63  }
0x96: {  	v3 =	vadd.s32 v1, v3  }
0x97: {  	[hbm4b:s6+s3] =	stream.indirect_vreg.scatter [tilespmem:s28], [sflag:$0x1], $0x80, v4, vm0, $0xb8;
	[tilespmem:$0x12080] =	vst v63  }
0x98: {  	_ = 	snop  }
0x99: {  	[hbm4b:s7+s3] =	stream.indirect_vreg.scatter [tilespmem:s29], [sflag:$0x1], $0x80, v4, vm0, $0xb8;
	[tilespmem:$0x12080] =	vst v63  }
0x9a: {  	_ = 	snop  }
0x9b: {  	[hbm4b:s4+s3] =	stream.indirect_vreg.scatter [tilespmem:s30], [sflag:$0x1], $0x80, v3, vm0, $0xb8;
	[tilespmem:$0x12080] =	vst v63  }
0x9c: {  	_ = 	snop  }
0x9d: {  	[hbm4b:s5+s3] =	stream.indirect_vreg.scatter [tilespmem:s31], [sflag:$0x1], $0x80, v3, vm0, $0xb8;
	[tilespmem:$0x12080] =	vst v63  }
0x9e: {  	s24 =	simm.s32 $0x3080  }
0x9f: {  	[hbm4b:s6+s3] =	stream.indirect_vreg.scatter [tilespmem:s24], [sflag:$0x1], $0x80, v3, vm0, $0xb8;
	[tilespmem:$0x12080] =	vst v63  }
0xa0: {  	_ = 	snop  }
0xa1: {  	[hbm4b:s7+s3] =	stream.indirect_vreg.scatter [tilespmem:s2], [sflag:$0x1], $0x80, v3, vm0, $0xb8;
	[tilespmem:$0x12080] =	vst v63  }
0xa2: {  	v3 =	vld [tilespmem:$0x10];
	_ =	sdelay $0x4  }
0xa3: {  	v61 =	vshll.u32 v3, $0x3  }
0xa4: {  	v3 =	vand.u32 $0x7, v3;
	v4 =	vand.u32 $0xFFFFFFC0, v61  }
0xa5: {  	v3 =	vor.u32 v3, v4  }
0xa6: {  	v4 =	vperm.xlane v3, v0;
	_ =	sdelay $0x1  }
0xa7: {  	v4 =	vadd.s32 v1, v4;
	_ =	sdelay $0x4  }
0xa8: {  	[hbm4b:s4+s3] =	stream.indirect_vreg.scatter [tilespmem:s1], [sflag:$0x1], $0x80, v4, vm0, $0xb8;
	[tilespmem:$0x12080] =	vst v63  }
0xa9: {  	v3 =	vperm.xlane v3, v2  }
0xaa: {  	[hbm4b:s5+s3] =	stream.indirect_vreg.scatter [tilespmem:s12], [sflag:$0x1], $0x80, v4, vm0, $0xb8;
	[tilespmem:$0x12080] =	vst v63  }
0xab: {  	v3 =	vadd.s32 v1, v3  }
0xac: {  	[hbm4b:s6+s3] =	stream.indirect_vreg.scatter [tilespmem:s13], [sflag:$0x1], $0x80, v4, vm0, $0xb8;
	[tilespmem:$0x12080] =	vst v63  }
0xad: {  	_ = 	snop  }
0xae: {  	[hbm4b:s7+s3] =	stream.indirect_vreg.scatter [tilespmem:s14], [sflag:$0x1], $0x80, v4, vm0, $0xb8;
	[tilespmem:$0x12080] =	vst v63  }
0xaf: {  	_ = 	snop  }
0xb0: {  	[hbm4b:s4+s3] =	stream.indirect_vreg.scatter [tilespmem:s15], [sflag:$0x1], $0x80, v3, vm0, $0xb8;
	[tilespmem:$0x12080] =	vst v63  }
0xb1: {  	_ = 	snop  }
0xb2: {  	[hbm4b:s5+s3] =	stream.indirect_vreg.scatter [tilespmem:s16], [sflag:$0x1], $0x80, v3, vm0, $0xb8;
	[tilespmem:$0x12080] =	vst v63  }
0xb3: {  	_ = 	snop  }
0xb4: {  	[hbm4b:s6+s3] =	stream.indirect_vreg.scatter [tilespmem:s17], [sflag:$0x1], $0x80, v3, vm0, $0xb8;
	[tilespmem:$0x12080] =	vst v63  }
0xb5: {  	_ = 	snop  }
0xb6: {  	[hbm4b:s7+s3] =	stream.indirect_vreg.scatter [tilespmem:s18], [sflag:$0x1], $0x80, v3, vm0, $0xb8;
	[tilespmem:$0x12080] =	vst v63  }
0xb7: {  	v3 =	vld [tilespmem:$0x20];
	_ =	sdelay $0x4  }
0xb8: {  	v62 =	vshll.u32 v3, $0x3  }
0xb9: {  	v3 =	vand.u32 $0x7, v3;
	v4 =	vand.u32 $0xFFFFFFC0, v62  }
0xba: {  	v3 =	vor.u32 v3, v4  }
0xbb: {  	v4 =	vperm.xlane v3, v0;
	_ =	sdelay $0x1  }
0xbc: {  	v4 =	vadd.s32 v1, v4;
	_ =	sdelay $0x4  }
0xbd: {  	[hbm4b:s4+s3] =	stream.indirect_vreg.scatter [tilespmem:s19], [sflag:$0x1], $0x80, v4, vm0, $0xb8;
	[tilespmem:$0x12080] =	vst v63  }
0xbe: {  	v3 =	vperm.xlane v3, v2  }
0xbf: {  	[hbm4b:s5+s3] =	stream.indirect_vreg.scatter [tilespmem:s20], [sflag:$0x1], $0x80, v4, vm0, $0xb8;
	[tilespmem:$0x12080] =	vst v63  }
0xc0: {  	v3 =	vadd.s32 v1, v3  }
0xc1: {  	[hbm4b:s6+s3] =	stream.indirect_vreg.scatter [tilespmem:s21], [sflag:$0x1], $0x80, v4, vm0, $0xb8;
	[tilespmem:$0x12080] =	vst v63  }
0xc2: {  	_ = 	snop  }
0xc3: {  	[hbm4b:s7+s3] =	stream.indirect_vreg.scatter [tilespmem:s10], [sflag:$0x1], $0x80, v4, vm0, $0xb8;
	[tilespmem:$0x12080] =	vst v63  }
0xc4: {  	s24 =	simm.s32 $0xA080  }
0xc5: {  	[hbm4b:s4+s3] =	stream.indirect_vreg.scatter [tilespmem:s24], [sflag:$0x1], $0x80, v3, vm0, $0xb8;
	[tilespmem:$0x12080] =	vst v63  }
0xc6: {  	s11 =	simm.s32 $0xA880  }
0xc7: {  	[hbm4b:s5+s3] =	stream.indirect_vreg.scatter [tilespmem:s11], [sflag:$0x1], $0x80, v3, vm0, $0xb8;
	[tilespmem:$0x12080] =	vst v63  }
0xc8: {  	s24 =	simm.s32 $0xB080  }
0xc9: {  	[hbm4b:s6+s3] =	stream.indirect_vreg.scatter [tilespmem:s24], [sflag:$0x1], $0x80, v3, vm0, $0xb8;
	[tilespmem:$0x12080] =	vst v63  }
0xca: {  	s11 =	simm.s32 $0xB880  }
0xcb: {  	[hbm4b:s7+s3] =	stream.indirect_vreg.scatter [tilespmem:s11], [sflag:$0x1], $0x80, v3, vm0, $0xb8;
	[tilespmem:$0x12080] =	vst v63  }
0xcc: {  	v3 =	vld [tilespmem:$0x30];
	_ =	sdelay $0x4  }
0xcd: {  	v63 =	vshll.u32 v3, $0x3  }
0xce: {  	v3 =	vand.u32 $0x7, v3;
	v4 =	vand.u32 $0xFFFFFFC0, v63  }
0xcf: {  	v3 =	vor.u32 v3, v4  }
0xd0: {  	v4 =	vperm.xlane v3, v0;
	_ =	sdelay $0x1  }
0xd1: {  	v4 =	vadd.s32 v1, v4;
	_ =	sdelay $0x3  }
0xd2: {  	s24 =	simm.s32 $0xC080  }
0xd3: {  	[hbm4b:s4+s3] =	stream.indirect_vreg.scatter [tilespmem:s24], [sflag:$0x1], $0x80, v4, vm0, $0xb8;
	[tilespmem:$0x12080] =	vst v63  }
0xd4: {  	s11 =	simm.s32 $0xC880;
	v3 =	vperm.xlane v3, v2  }
0xd5: {  	[hbm4b:s5+s3] =	stream.indirect_vreg.scatter [tilespmem:s11], [sflag:$0x1], $0x80, v4, vm0, $0xb8;
	[tilespmem:$0x12080] =	vst v63  }
0xd6: {  	v3 =	vadd.s32 v1, v3;
	s24 =	simm.s32 $0xD080  }
0xd7: {  	[hbm4b:s6+s3] =	stream.indirect_vreg.scatter [tilespmem:s24], [sflag:$0x1], $0x80, v4, vm0, $0xb8;
	[tilespmem:$0x12080] =	vst v63  }
0xd8: {  	s11 =	simm.s32 $0xD880  }
0xd9: {  	[hbm4b:s7+s3] =	stream.indirect_vreg.scatter [tilespmem:s11], [sflag:$0x1], $0x80, v4, vm0, $0xb8;
	[tilespmem:$0x12080] =	vst v63  }
0xda: {  	s24 =	simm.s32 $0xE080  }
0xdb: {  	[hbm4b:s4+s3] =	stream.indirect_vreg.scatter [tilespmem:s24], [sflag:$0x1], $0x80, v3, vm0, $0xb8;
	[tilespmem:$0x12080] =	vst v63  }
0xdc: {  	s11 =	simm.s32 $0xE880  }
0xdd: {  	[hbm4b:s5+s3] =	stream.indirect_vreg.scatter [tilespmem:s11], [sflag:$0x1], $0x80, v3, vm0, $0xb8;
	[tilespmem:$0x12080] =	vst v63  }
0xde: {  	s24 =	simm.s32 $0xF080  }
0xdf: {  	[hbm4b:s6+s3] =	stream.indirect_vreg.scatter [tilespmem:s24], [sflag:$0x1], $0x80, v3, vm0, $0xb8;
	[tilespmem:$0x12080] =	vst v63  }
0xe0: {  	s11 =	simm.s32 $0xF880  }
0xe1: {  	[hbm4b:s7+s3] =	stream.indirect_vreg.scatter [tilespmem:s11], [sflag:$0x1], $0x80, v3, vm0, $0xb8;
	[tilespmem:$0x12080] =	vst v63  }
0xe2: {  	s24 =	simm.s32 $0x40  }
0xe3: {  	[hbm4b:s25+s24] =	stream.indirect.scatter [tilespmem:s0], [sflag:$0x2], $0x80, s3, s24, $0xb8;
	[tilespmem:$0x12080] =	vst v63  }
0xe4: {  	p0 =	sne.s32 s8, $0x1;
	_ =	swait.ge [sflag:s22], $0x10000  }
.Ltmp0:
0xe5: {  	[sflag:s22] =	ssyncset.done $0x0;
	(pc) =	sbr.rel @p0 .LBB2_1-.Ltmp0, $4  }
0xe6: {  	[sflag:s22] =	ssyncadd.s32 $0xFFFF0000  }
0xe7: {  	_ =	swait.ge [sflag:s23], $0x2000  }
0xe8: {  	[sflag:s23] =	ssyncset.done $0x0  }
0xe9: {  	s8 =	sadd.s32 $0xFFFFFFFF, s8;
	[sflag:s23] =	ssyncadd.s32 $0xFFFFE000  }
0xea: {  	_ =	sfence.sel $0x180000  }
0xeb: {  	[bflag:$0x0] =	sbarrier.arrive $0xFFFF  }
0xec: {  	_ =	strace $0x90000047  }
0xed: {  	s0 =	stileid.u32;
	[bflag:$0x2] =	sbarrier.arrive $0xFFFF  }
0xee: {  	p0 =	sne.s32 s0, $0x0;
	s0 =	rddreg [dreg:$0x3]  }
0xef: {  	s0 =	sadd.s32 @!p0 $0x100000, s0  }
0xf0: {  	[sflag:s0] =	ssyncadd.tile.s32 @!p0 $0x1;
	_ =	shalt  }
.Lfunc_end2:
_tile_overlayer_lowered:
.L_overlay_start_2:
0xf1: {  	(tag) =	ssettag $0x2  }
0xf2: {  	s0 =	rddreg [dreg:$0x0];
	s2 =	stileid.u32  }
0xf3: {  	s1 =	rddreg [dreg:$0x1];
	p0 =	sne.s32 s2, $0x0  }
0xf4: {  	s3 =	rddreg [dreg:$0x2];
	[bflag:$0x3] =	sbarrier.arrive $0xFFFF;
	s2 =	simm.s32 @!p0 $0x1C03  }
0xf5: {  	[timem:s3], [sflag:s2] =	dma.local @!p0 [hbm:s0], s1  }
0xf6: {  	s0 =	simm.s32 @!p0 $0x3  }
0xf7: {  	_ =	swait.ge @!p0 [sflag:s0], s1  }
0xf8: {  	s1 =	ssub.s32 @!p0 $0x0, s1;
	[sflag:s0] =	ssyncset.done @!p0 $0x0  }
0xf9: {  	[sflag:s0] =	ssyncadd.s32 @!p0 s1  }
0xfa: {  	[bflag:$0x3] =	sbarrier.arrive $0xFFFF  }
0xfb: {  	_ =	shalt  }

// kernel: kernel.9.cloned.1.call-start
scs
__scs_entry_jumppad:
0x0: {  	(pc) =	sbr.rel $0x88, $3  }
0x1: {  	(tag) =	ssettag $0x0;
	lr =	simm.s32 $0x1  }
0x2: {  	[smem:$0x3F9A] =	sst lr;
	_ =	strace $0xD0000000  }
0x3: {  	_ = 	snop  }
0x4: {  	_ = 	snop  }
0x5: {  	_ = 	snop  }
0x6: {  	_ = 	snop  }
0x7: {  	_ = 	snop  }
__scs_overlays_trampoline_lowered:
0x8: {  	[smem:$0x3FA9] =	sst s0  }
0x9: {  	[smem:$0x3FAA] =	sst s1  }
0xa: {  	[smem:$0x3FAB] =	sst s2  }
0xb: {  	[smem:$0x3FAC] =	sst s3  }
0xc: {  	[smem:$0x3FAD] =	sst s4  }
0xd: {  	[smem:$0x3FAE] =	sst s5  }
0xe: {  	[smem:$0x3FAF] =	sst s6  }
0xf: {  	[smem:$0x3FB0] =	sst s7  }
0x10: {  	[smem:$0x3FB1] =	sst s8  }
0x11: {  	[smem:$0x3FB2] =	sst s9;
	s0 =	simm.s32 @!p0 $0x0  }
0x12: {  	s1 =	sld [smem:$0x3F98];
	s0 =	simm.s32 @p0 $0x1  }
0x13: {  	[smem:$0x3FB3] =	sst s0;
	s0 =	simm.s32 @!p1 $0x0  }
0x14: {  	s2 =	sld [smem:$0x3F97];
	s0 =	simm.s32 @p1 $0x1  }
0x15: {  	[smem:$0x3FB4] =	sst s0;
	s0 =	simm.s32 @!p2 $0x0  }
0x16: {  	s3 =	sld [smem:$0x3FDB];
	s0 =	simm.s32 @p2 $0x1  }
0x17: {  	s4 =	simm.s32 $0x1BF5;
	[smem:$0x3FB6] =	sst s0  }
0x18: {  	s0 =	sld [smem:$0x3F99];
	_ =	swait.ge [sflag:s4], $0x0  }
0x19: {  	s7 =	sld [smem:$0x3F9A]  }
0x1a: {  	s8 =	sadd.s32 $0xFFFFE003, lr  }
0x1b: {  	s9 =	sadd.s32 $0xFFFFFEF7, lr;
	s5 =	simm.s32 $0xFFFFFFFF;
	p2 =	slt.u32 s8, $0xFFFFF086  }
0x1c: {  	p1 =	slt.u32 s9, $0xF7A;
	s5 =	simm.s32 @!p2 $0x0  }
0x1d: {  	s5 =	simm.s32 @p1 $0x1;
	p0 =	seq.s32 s7, s2  }
0x1e: {  	s7 =	smul.u32 @!p0 $0xF7A, s2;
	p2 =	seq.s32 @!p0 s5, $0x0  }
0x1f: {  	s9 =	smul.u32 $0xF7A, s1;
	s8 =	simm.s32 @!p0 $0x1BF5;
	p2 =	por !p2, p0  }
0x20: {  	[sflag:s8] =	ssyncset.s32 @!p0 $0xFFFFF086;
	s6 =	sadd.s32 @!p0 s3, s7;
	s7 =	simm.s32 @!p0 $0x108  }
0x21: {  	s3 =	sadd.s32 s3, s9;
	s6 =	sadd.s32 @!p0 $0x88, s6;
	s7 =	simm.s32 @p2 $0x1082  }
0x22: {  	[simem:s7], [sflag:s8] =	dma.local @!p0 [hbm:s6], $0xF7A  }
0x23: {  	s9 =	sor.u32 $0xD0000000, s2;
	s6 =	simm.s32 $0x108;
	_ =	swait.ge @!p0 [sflag:s8], $0x0  }
0x24: {  	s3 =	sadd.s32 $0x88, s3;
	s6 =	simm.s32 @!p1 $0x1082;
	[sflag:s4] =	ssyncset.s32 $0xFFFFF086  }
0x25: {  	[simem:s6], [sflag:s4] =	dma.local [hbm:s3], $0xF7A  }
0x26: {  	[smem:$0x3F9A] =	sst s1;
	(tag) =	ssettag s2;
	_ =	strace s9  }
0x27: {  	s1 =	sld [smem:$0x3FAA]  }
0x28: {  	s2 =	sld [smem:$0x3FAB]  }
0x29: {  	s4 =	sld [smem:$0x3FAD]  }
0x2a: {  	p0 =	seq.s32 s5, $0x0;
	s5 =	sld [smem:$0x3FAE]  }
0x2b: {  	s6 =	sld [smem:$0x3FAF]  }
0x2c: {  	s7 =	sld [smem:$0x3FB0]  }
0x2d: {  	s3 =	simm.s32 $0x108;
	s8 =	sld [smem:$0x3FB1]  }
0x2e: {  	s3 =	simm.s32 @!p0 $0x1082;
	s9 =	sld [smem:$0x3FB2]  }
0x2f: {  	lr =	sadd.s32 s0, s3;
	s0 =	sld [smem:$0x3FA9]  }
0x30: {  	s3 =	sld [smem:$0x3FAC]  }
0x31: {  	[smem:$0x3FB5] =	sst s10  }
0x32: {  	s10 =	sld [smem:$0x3FB3];
	_ =	sdelay $0x3  }
0x33: {  	p0 =	seq.s32 s10, $0x1;
	s10 =	sld [smem:$0x3FB5];
	_ =	sdelay $0x3  }
0x34: {  	[smem:$0x3FB5] =	sst s10  }
0x35: {  	s10 =	sld [smem:$0x3FB4];
	_ =	sdelay $0x3  }
0x36: {  	p1 =	seq.s32 s10, $0x1;
	s10 =	sld [smem:$0x3FB5];
	_ =	sdelay $0x3  }
0x37: {  	[smem:$0x3FB5] =	sst s10  }
0x38: {  	s10 =	sld [smem:$0x3FB6]  }
0x39: {  	_ = 	snop;
	(pc) =	sbr.ind lr, $3  }
0x3a: {  	_ = 	snop  }
0x3b: {  	_ = 	snop  }
0x3c: {  	p2 =	seq.s32 s10, $0x1;
	s10 =	sld [smem:$0x3FB5]  }
0x3d: {  	_ =	shalt  }
0x3e: {  	_ =	shalt  }
0x3f: {  	_ =	shalt  }
0x40: {  	_ =	shalt  }
0x41: {  	_ =	shalt  }
0x42: {  	_ =	shalt  }
0x43: {  	_ =	shalt  }
0x44: {  	_ =	shalt  }
0x45: {  	_ =	shalt  }
0x46: {  	_ =	shalt  }
0x47: {  	_ =	shalt  }
0x48: {  	_ =	shalt  }
0x49: {  	_ =	shalt  }
0x4a: {  	_ =	shalt  }
0x4b: {  	_ =	shalt  }
0x4c: {  	_ =	shalt  }
0x4d: {  	_ =	shalt  }
0x4e: {  	_ =	shalt  }
0x4f: {  	_ =	shalt  }
0x50: {  	_ =	shalt  }
0x51: {  	_ =	shalt  }
0x52: {  	_ =	shalt  }
0x53: {  	_ =	shalt  }
0x54: {  	_ =	shalt  }
0x55: {  	_ =	shalt  }
0x56: {  	_ =	shalt  }
0x57: {  	_ =	shalt  }
0x58: {  	_ =	shalt  }
0x59: {  	_ =	shalt  }
0x5a: {  	_ =	shalt  }
0x5b: {  	_ =	shalt  }
0x5c: {  	_ =	shalt  }
0x5d: {  	_ =	shalt  }
0x5e: {  	_ =	shalt  }
0x5f: {  	_ =	shalt  }
0x60: {  	_ =	shalt  }
0x61: {  	_ =	shalt  }
0x62: {  	_ =	shalt  }
0x63: {  	_ =	shalt  }
0x64: {  	_ =	shalt  }
0x65: {  	_ =	shalt  }
0x66: {  	_ =	shalt  }
0x67: {  	_ =	shalt  }
0x68: {  	_ =	shalt  }
0x69: {  	_ =	shalt  }
0x6a: {  	_ =	shalt  }
0x6b: {  	_ =	shalt  }
0x6c: {  	_ =	shalt  }
0x6d: {  	_ =	shalt  }
0x6e: {  	_ =	shalt  }
0x6f: {  	_ =	shalt  }
0x70: {  	_ =	shalt  }
0x71: {  	_ =	shalt  }
0x72: {  	_ =	shalt  }
0x73: {  	_ =	shalt  }
0x74: {  	_ =	shalt  }
0x75: {  	_ =	shalt  }
0x76: {  	_ =	shalt  }
0x77: {  	_ =	shalt  }
0x78: {  	_ =	shalt  }
0x79: {  	_ =	shalt  }
0x7a: {  	_ =	shalt  }
0x7b: {  	_ =	shalt  }
0x7c: {  	_ =	shalt  }
0x7d: {  	_ =	shalt  }
0x7e: {  	_ =	shalt  }
0x7f: {  	_ =	shalt  }
0x80: {  	_ =	shalt  }
0x81: {  	_ =	shalt  }
0x82: {  	_ =	shalt  }
0x83: {  	_ =	shalt  }
0x84: {  	_ =	shalt  }
0x85: {  	_ =	shalt  }
0x86: {  	_ =	shalt  }
0x87: {  	_ =	shalt  }
.Lfunc_end0:
.L_simem_size_0:
called_computation.1_lowered:
.L_overlay_start_0:
0x88: {  	s2 =	sld [smem:$0x3FD9]  }
0x89: {  	s3 =	sld [smem:$0x3FFE];
	_ =	sdelay $0x1  }
0x8a: {  	s1 =	srdreg.scid  }
0x8b: {  	s0 =	sand.u32 $0x1, s1  }
0x8c: {  	s14 =	sshll.u32 s0, $0xA;
	s2 =	sadd.s32 s3, s2  }
0x8d: {  	s2 =	sadd.s32 s2, s14  }
0x8e: {  	[smem:$0x3FC1] =	sst s2  }
0x8f: {  	_ = 	snop  }
0x90: {  	s2 =	sld [smem:$0x3FD0];
	_ =	sdelay $0x2  }
0x91: {  	s15 =	simm.s32 $0xA;
	s4 =	simm.s32 $0x10  }
0x92: {  	[smem:s4], [sflag:s15] =	dma.local [hbm:s2], $0x1  }
0x93: {  	_ =	swait.eq [sflag:s15], $0x1  }
0x94: {  	[sflag:s15] =	ssyncset.done $0x0  }
0x95: {  	[sflag:s15] =	ssyncadd.s32 $0xFFFFFFFF  }
0x96: {  	s16 =	sld [smem:$0x10];
	(tm) =	ssettm $0x1  }
0x97: {  	s17 =	sld [smem:$0x3FFB];
	_ =	sdelay $0x3  }
0x98: {  	_ =	strace s17  }
0x99: {  	s3 =	sld [smem:$0x3FFC];
	_ =	sdelay $0x3  }
0x9a: {  	_ =	strace s3  }
0x9b: {  	s3 =	sld [smem:$0x3FFD];
	_ =	sdelay $0x3  }
0x9c: {  	_ =	strace s3  }
0x9d: {  	_ =	strace $0x8FFFFFFF  }
0x9e: {  	s18 =	sld [smem:$0x3FDB];
	_ =	sdelay $0x1  }
0x9f: {  	s19 =	simm.s32 $_scs_section_size  }
0xa0: {  	s5 =	simm.s32 $_size__tile_overlayer_lowered;
	s6 =	simm.s32 $_tile_overlayer_lowered  }
0xa1: {  	s22 =	simm.s32 $0x1BFF;
	s21 =	sshll.u32 s6, $0x1;
	s3 =	sadd.s32 s19, s18  }
0xa2: {  	s7 =	simm.s32 $0x0;
	s20 =	sshll.u32 s5, $0x1;
	s5 =	sadd.s32 s21, s3  }
0xa3: {  	[timem:s7], [sflag:s22] =	dma.local [hbm:s5], s20  }
0xa4: {  	_ =	swait.ge [sflag:s22], s20  }
0xa5: {  	s4 =	ssub.s32 $0x0, s20;
	[sflag:s22] =	ssyncset.done $0x0  }
0xa6: {  	[sflag:s22] =	ssyncadd.s32 s4;
	_ =	sdelay $0x1  }
0xa7: {  	s23 =	simm.s32 $0x1B8B  }
0xa8: {  	_ =	swait.ge [sflag:s23], $0x1  }
0xa9: {  	[sflag:s23] =	ssyncset.done $0x0  }
0xaa: {  	s25 =	simm.s32 $0x1B8E;
	s24 =	sld [smem:$0x3FFE];
	[sflag:s23] =	ssyncadd.s32 $0xFFFFFFFF  }
0xab: {  	s26 =	simm.s32 $execute0_lowered;
	[smem:$0x3FD2] =	sst s25  }
0xac: {  	s5 =	sshll.u32 s26, $0x1;
	_ =	strace $0x80000049;
	[dreg:$0x1] =	wrdreg $0xFFFFFFFF  }
0xad: {  	s28 =	simm.s32 $_size_execute0_lowered;
	s3 =	sadd.s32 s3, s5;
	[dreg:$0x0] =	wrdreg $0x0  }
0xae: {  	s5 =	sshll.u32 s28, $0x1;
	[dreg:$0x2] =	wrdreg s3  }
0xaf: {  	[dreg:$0x3] =	wrdreg s5  }
0xb0: {  	[dreg:$0x4] =	wrdreg $0xC0  }
0xb1: {  	_ =	task [dreg:s7], $0x5FFFF  }
0xb2: {  	[dreg:$0x1] =	wrdreg $0xFFFFFFFF  }
0xb3: {  	[dreg:$0x0] =	wrdreg $0x60  }
0xb4: {  	[dreg:$0x2] =	wrdreg s24  }
0xb5: {  	[dreg:$0x3] =	wrdreg s16  }
0xb6: {  	[dreg:$0x4] =	wrdreg $0x9  }
0xb7: {  	_ =	task.clear_ibuf [dreg:s7], $0x5FFFF;
	_ =	strace $0x90000049  }
0xb8: {  	s29 =	simm.s32 $0x9;
	_ =	strace $0x8000004B  }
0xb9: {  	_ =	swait.ge [sflag:s29], $0x1  }
0xba: {  	[sflag:s29] =	ssyncadd.s32 $0xFFFFFFFF  }
0xbb: {  	_ =	strace $0x9000004B  }
0xbc: {  	_ =	sfence  }
0xbd: {  	s30 =	sld [smem:$0x0];
	_ =	sdelay $0x2  }
0xbe: {  	s31 =	sshll.u32 s1, $0xD;
	s1 =	sshrl.u32 s1, $0x2  }
0xbf: {  	s3 =	sand.u32 $0x4000, s31;
	s1 =	sadd.s32 s1, s30  }
0xc0: {  	s0 =	sor.u32 s3, s0;
	s1 =	sshll.u32 s1, $0x11  }
0xc1: {  	s0 =	sor.u32 s1, s0  }
0xc2: {  	s0 =	sadd.s32 $0x8F2B, s0  }
0xc3: {  	[sflag:s0] =	ssyncadd.remote.s32 $0x1  }
0xc4: {  	_ =	sfence.sel $0xFFFF  }
0xc5: {  	[dreg:$0x0] =	wrdreg $0xFFFFFFFF;
	(pc) =	sbr.abs _section_cstart, $3  }
0xc6: {  	[dreg:$0x1] =	wrdreg $0xFFFFFFFF  }
0xc7: {  	_ =	task.clear_ibuf [dreg:s7], $0x2FFFF;
	_ =	strace $0x9FFFFFFF  }
0xc8: {  	(tm) =	ssettm $0x7FFFFFFF  }
0xc9: {  	_ =	shalt  }
tec
execute0_lowered:
.L_overlay_start_1:
0x0: {  	(tag) =	ssettag $0x1  }
0x1: {  	s0 =	rddreg [dreg:$0x0]  }
0x2: {  	s1 =	rddreg [dreg:$0x1]  }
0x3: {  	s2 =	srdreg.scid;
	s4 =	stileid.u32;
	s18 =	simm.s32 $0x1  }
0x4: {  	s20 =	simm.s32 $0x880;
	s21 =	simm.s32 $0x1080;
	s28 =	simm.s32 $0x4080  }
0x5: {  	s29 =	simm.s32 $0x4880;
	s30 =	simm.s32 $0x5080;
	s31 =	simm.s32 $0x5880  }
0x6: {  	s11 =	simm.s32 $0x7880;
	s12 =	simm.s32 $0x8080;
	s13 =	simm.s32 $0x8880  }
0x7: {  	s14 =	simm.s32 $0x9080;
	s15 =	simm.s32 $0x9880;
	s16 =	simm.s32 $0xA080  }
0x8: {  	s17 =	simm.s32 $0xA880;
	s3 =	sand.u32 $0x1, s2;
	s2 =	simm.s32 $0x0  }
0x9: {  	s4 =	sshll.u32 s4, $0x8;
	s6 =	sadd.s32 $0x12000, s0;
	s5 =	sshll.u32 s3, $0x7  }
0xa: {  	[smem:$0x7FF] =	sst s2;
	s22 =	ssub.s32 $0x2, s3;
	s3 =	sadd.s32 $0xD3800, s0  }
0xb: {  	s5 =	sor.u32 s5, s4;
	_ =	strace $0x8000004A;
	s7 =	sshrl.u32 s22, $0x1  }
0xc: {  	s4 =	sadd.s32 $0xD3900, s0;
	s23 =	sshrl.u32 s5, $0x3;
	s7 =	ssub.s32 s22, s7  }
0xd: {  	s24 =	sshll.u32 s5, $0x7;
	s9 =	sor.u32 $0x40, s5;
	s5 =	sadd.s32 $0xD3A00, s0  }
0xe: {  	s22 =	simm.s32 $0x1880;
	s8 =	sadd.s32 s6, s23;
	s10 =	sshrl.u32 s9, $0x3  }
0xf: {  	s9 =	sshll.u32 s9, $0x7;
	s7 =	smax.u32 s7, $0x1;
	s23 =	simm.s32 $0x2080  }
0x10: {  	[dreg:$0x3] =	wrdreg s8;
	s8 =	sadd.s32 s1, s24;
	s25 =	sadd.s32 s6, s10  }
0x11: {  	s6 =	sadd.s32 $0xD3B00, s0;
	s26 =	sadd.s32 s1, s9;
	[dreg:$0x4] =	wrdreg s8  }
0x12: {  	v2 =	vlaneseq.u32;
	s0 =	simm.s32 $0x80;
	s24 =	simm.s32 $0x2880;
	[dreg:$0x5] =	wrdreg s25  }
0x13: {  	vm0 =	vmmov $0xffff;
	v1 =	vshrl.u32 v2, $0x3;
	s10 =	simm.s32 $0x7080;
	s9 =	simm.s32 $0xB080;
	[dreg:$0x6] =	wrdreg s26  }
0x14: {  	v0 =	vand.u32 $0x7, v2;
	v2 =	vor.u32 $0x8, v2;
	v1 =	vmul.u32 $0x8, v1;
	s8 =	simm.s32 $0x2;
	s25 =	simm.s32 $0x3080;
	s26 =	simm.s32 $0x3880  }
.LBB2_1:
0x15: {  	s19 =	rddreg [dreg:$0x3]  }
0x16: {  	[tilespmem:s2], [sflag:$0x2] =	stream.linear.gather [hbm4b:s19+s2], $0x40, $0x38;
	[tilespmem:$0x10080] =	vst v63  }
0x17: {  	_ =	swait.ge [sflag:s8], $0x40  }
0x18: {  	[sflag:s8] =	ssyncset.done $0x0  }
0x19: {  	[sflag:s8] =	ssyncadd.s32 $0xFFFFFFC0  }
0x1a: {  	v3 =	vld [tilespmem:$0x0];
	_ =	sdelay $0x4  }
0x1b: {  	v4 =	vshll.u32 v3, $0x3  }
0x1c: {  	v3 =	vand.u32 $0x7, v3;
	v4 =	vand.u32 $0xFFFFFFC0, v4  }
0x1d: {  	v3 =	vor.u32 v3, v4  }
0x1e: {  	v4 =	vperm.xlane v3, v0;
	_ =	sdelay $0x1  }
0x1f: {  	v4 =	vadd.s32 v1, v4;
	_ =	sdelay $0x4  }
0x20: {  	[tilespmem:s0], [sflag:$0x1] =	stream.indirect_vreg.gather [hbm4b:s3+s2], $0x80, v4, vm0, $0xb8;
	[tilespmem:$0x10080] =	vst v63  }
0x21: {  	v3 =	vperm.xlane v3, v2  }
0x22: {  	[tilespmem:s20], [sflag:$0x1] =	stream.indirect_vreg.gather [hbm4b:s4+s2], $0x80, v4, vm0, $0xb8;
	[tilespmem:$0x10080] =	vst v63  }
0x23: {  	v3 =	vadd.s32 v1, v3  }
0x24: {  	[tilespmem:s21], [sflag:$0x1] =	stream.indirect_vreg.gather [hbm4b:s5+s2], $0x80, v4, vm0, $0xb8;
	[tilespmem:$0x10080] =	vst v63  }
0x25: {  	_ = 	snop  }
0x26: {  	[tilespmem:s22], [sflag:$0x1] =	stream.indirect_vreg.gather [hbm4b:s6+s2], $0x80, v4, vm0, $0xb8;
	[tilespmem:$0x10080] =	vst v63  }
0x27: {  	_ = 	snop  }
0x28: {  	[tilespmem:s23], [sflag:$0x1] =	stream.indirect_vreg.gather [hbm4b:s3+s2], $0x80, v3, vm0, $0xb8;
	[tilespmem:$0x10080] =	vst v63  }
0x29: {  	_ = 	snop  }
0x2a: {  	[tilespmem:s24], [sflag:$0x1] =	stream.indirect_vreg.gather [hbm4b:s4+s2], $0x80, v3, vm0, $0xb8;
	[tilespmem:$0x10080] =	vst v63  }
0x2b: {  	_ = 	snop  }
0x2c: {  	[tilespmem:s25], [sflag:$0x1] =	stream.indirect_vreg.gather [hbm4b:s5+s2], $0x80, v3, vm0, $0xb8;
	[tilespmem:$0x10080] =	vst v63  }
0x2d: {  	_ = 	snop  }
0x2e: {  	[tilespmem:s26], [sflag:$0x1] =	stream.indirect_vreg.gather [hbm4b:s6+s2], $0x80, v3, vm0, $0xb8;
	[tilespmem:$0x10080] =	vst v63  }
0x2f: {  	v3 =	vld [tilespmem:$0x10];
	_ =	sdelay $0x4  }
0x30: {  	v57 =	vshll.u32 v3, $0x3  }
0x31: {  	v3 =	vand.u32 $0x7, v3;
	v4 =	vand.u32 $0xFFFFFFC0, v57  }
0x32: {  	v3 =	vor.u32 v3, v4  }
0x33: {  	v4 =	vperm.xlane v3, v0;
	_ =	sdelay $0x1  }
0x34: {  	v4 =	vadd.s32 v1, v4;
	_ =	sdelay $0x4  }
0x35: {  	[tilespmem:s28], [sflag:$0x1] =	stream.indirect_vreg.gather [hbm4b:s3+s2], $0x80, v4, vm0, $0xb8;
	[tilespmem:$0x10080] =	vst v63  }
0x36: {  	v3 =	vperm.xlane v3, v2  }
0x37: {  	[tilespmem:s29], [sflag:$0x1] =	stream.indirect_vreg.gather [hbm4b:s4+s2], $0x80, v4, vm0, $0xb8;
	[tilespmem:$0x10080] =	vst v63  }
0x38: {  	v3 =	vadd.s32 v1, v3  }
0x39: {  	[tilespmem:s30], [sflag:$0x1] =	stream.indirect_vreg.gather [hbm4b:s5+s2], $0x80, v4, vm0, $0xb8;
	[tilespmem:$0x10080] =	vst v63  }
0x3a: {  	_ = 	snop  }
0x3b: {  	[tilespmem:s31], [sflag:$0x1] =	stream.indirect_vreg.gather [hbm4b:s6+s2], $0x80, v4, vm0, $0xb8;
	[tilespmem:$0x10080] =	vst v63  }
0x3c: {  	s1 =	simm.s32 $0x6080  }
0x3d: {  	[tilespmem:s1], [sflag:$0x1] =	stream.indirect_vreg.gather [hbm4b:s3+s2], $0x80, v3, vm0, $0xb8;
	[tilespmem:$0x10080] =	vst v63  }
0x3e: {  	s1 =	simm.s32 $0x6880  }
0x3f: {  	[tilespmem:s1], [sflag:$0x1] =	stream.indirect_vreg.gather [hbm4b:s4+s2], $0x80, v3, vm0, $0xb8;
	[tilespmem:$0x10080] =	vst v63  }
0x40: {  	_ = 	snop  }
0x41: {  	[tilespmem:s10], [sflag:$0x1] =	stream.indirect_vreg.gather [hbm4b:s5+s2], $0x80, v3, vm0, $0xb8;
	[tilespmem:$0x10080] =	vst v63  }
0x42: {  	_ = 	snop  }
0x43: {  	[tilespmem:s11], [sflag:$0x1] =	stream.indirect_vreg.gather [hbm4b:s6+s2], $0x80, v3, vm0, $0xb8;
	[tilespmem:$0x10080] =	vst v63  }
0x44: {  	v3 =	vld [tilespmem:$0x20];
	_ =	sdelay $0x4  }
0x45: {  	v58 =	vshll.u32 v3, $0x3  }
0x46: {  	v3 =	vand.u32 $0x7, v3;
	v4 =	vand.u32 $0xFFFFFFC0, v58  }
0x47: {  	v3 =	vor.u32 v3, v4  }
0x48: {  	v4 =	vperm.xlane v3, v0;
	_ =	sdelay $0x1  }
0x49: {  	v4 =	vadd.s32 v1, v4;
	_ =	sdelay $0x4  }
0x4a: {  	[tilespmem:s12], [sflag:$0x1] =	stream.indirect_vreg.gather [hbm4b:s3+s2], $0x80, v4, vm0, $0xb8;
	[tilespmem:$0x10080] =	vst v63  }
0x4b: {  	v3 =	vperm.xlane v3, v2  }
0x4c: {  	[tilespmem:s13], [sflag:$0x1] =	stream.indirect_vreg.gather [hbm4b:s4+s2], $0x80, v4, vm0, $0xb8;
	[tilespmem:$0x10080] =	vst v63  }
0x4d: {  	v3 =	vadd.s32 v1, v3  }
0x4e: {  	[tilespmem:s14], [sflag:$0x1] =	stream.indirect_vreg.gather [hbm4b:s5+s2], $0x80, v4, vm0, $0xb8;
	[tilespmem:$0x10080] =	vst v63  }
0x4f: {  	_ = 	snop  }
0x50: {  	[tilespmem:s15], [sflag:$0x1] =	stream.indirect_vreg.gather [hbm4b:s6+s2], $0x80, v4, vm0, $0xb8;
	[tilespmem:$0x10080] =	vst v63  }
0x51: {  	_ = 	snop  }
0x52: {  	[tilespmem:s16], [sflag:$0x1] =	stream.indirect_vreg.gather [hbm4b:s3+s2], $0x80, v3, vm0, $0xb8;
	[tilespmem:$0x10080] =	vst v63  }
0x53: {  	_ = 	snop  }
0x54: {  	[tilespmem:s17], [sflag:$0x1] =	stream.indirect_vreg.gather [hbm4b:s4+s2], $0x80, v3, vm0, $0xb8;
	[tilespmem:$0x10080] =	vst v63  }
0x55: {  	_ = 	snop  }
0x56: {  	[tilespmem:s9], [sflag:$0x1] =	stream.indirect_vreg.gather [hbm4b:s5+s2], $0x80, v3, vm0, $0xb8;
	[tilespmem:$0x10080] =	vst v63  }
0x57: {  	s19 =	simm.s32 $0xB880  }
0x58: {  	[tilespmem:s19], [sflag:$0x1] =	stream.indirect_vreg.gather [hbm4b:s6+s2], $0x80, v3, vm0, $0xb8;
	[tilespmem:$0x10080] =	vst v63  }
0x59: {  	v3 =	vld [tilespmem:$0x30];
	_ =	sdelay $0x4  }
0x5a: {  	v59 =	vshll.u32 v3, $0x3  }
0x5b: {  	v3 =	vand.u32 $0x7, v3;
	v4 =	vand.u32 $0xFFFFFFC0, v59  }
0x5c: {  	v3 =	vor.u32 v3, v4  }
0x5d: {  	v4 =	vperm.xlane v3, v0;
	_ =	sdelay $0x1  }
0x5e: {  	v4 =	vadd.s32 v1, v4;
	_ =	sdelay $0x3  }
0x5f: {  	s19 =	simm.s32 $0xC080  }
0x60: {  	[tilespmem:s19], [sflag:$0x1] =	stream.indirect_vreg.gather [hbm4b:s3+s2], $0x80, v4, vm0, $0xb8;
	[tilespmem:$0x10080] =	vst v63  }
0x61: {  	v3 =	vperm.xlane v3, v2;
	s19 =	simm.s32 $0xC880  }
0x62: {  	[tilespmem:s19], [sflag:$0x1] =	stream.indirect_vreg.gather [hbm4b:s4+s2], $0x80, v4, vm0, $0xb8;
	[tilespmem:$0x10080] =	vst v63  }
0x63: {  	v3 =	vadd.s32 v1, v3;
	s19 =	simm.s32 $0xD080  }
0x64: {  	[tilespmem:s19], [sflag:$0x1] =	stream.indirect_vreg.gather [hbm4b:s5+s2], $0x80, v4, vm0, $0xb8;
	[tilespmem:$0x10080] =	vst v63  }
0x65: {  	s19 =	simm.s32 $0xD880  }
0x66: {  	[tilespmem:s19], [sflag:$0x1] =	stream.indirect_vreg.gather [hbm4b:s6+s2], $0x80, v4, vm0, $0xb8;
	[tilespmem:$0x10080] =	vst v63  }
0x67: {  	s19 =	simm.s32 $0xE080  }
0x68: {  	[tilespmem:s19], [sflag:$0x1] =	stream.indirect_vreg.gather [hbm4b:s3+s2], $0x80, v3, vm0, $0xb8;
	[tilespmem:$0x10080] =	vst v63  }
0x69: {  	s19 =	simm.s32 $0xE880  }
0x6a: {  	[tilespmem:s19], [sflag:$0x1] =	stream.indirect_vreg.gather [hbm4b:s4+s2], $0x80, v3, vm0, $0xb8;
	[tilespmem:$0x10080] =	vst v63  }
0x6b: {  	s19 =	simm.s32 $0xF080  }
0x6c: {  	[tilespmem:s19], [sflag:$0x1] =	stream.indirect_vreg.gather [hbm4b:s5+s2], $0x80, v3, vm0, $0xb8;
	[tilespmem:$0x10080] =	vst v63  }
0x6d: {  	s19 =	simm.s32 $0xF880  }
0x6e: {  	[tilespmem:s19], [sflag:$0x1] =	stream.indirect_vreg.gather [hbm4b:s6+s2], $0x80, v3, vm0, $0xb8;
	[tilespmem:$0x10080] =	vst v63  }
0x6f: {  	_ =	swait.ge [sflag:s18], $0x10000  }
0x70: {  	[sflag:s18] =	ssyncset.done $0x0  }
0x71: {  	s19 =	rddreg [dreg:$0x4];
	[sflag:s18] =	ssyncadd.s32 $0xFFFF0000  }
0x72: {  	[hbm4b:s19+s2] =	stream.linear.scatter [tilespmem:s0], [sflag:$0x2], $0x10000, $0x38;
	[tilespmem:$0x10080] =	vst v63  }
0x73: {  	_ =	swait.ge [sflag:s8], $0x10000  }
0x74: {  	[sflag:s8] =	ssyncset.done $0x0  }
0x75: {  	s19 =	rddreg [dreg:$0x5];
	[sflag:s8] =	ssyncadd.s32 $0xFFFF0000  }
0x76: {  	[tilespmem:s2], [sflag:$0x2] =	stream.linear.gather [hbm4b:s19+s2], $0x40, $0x38;
	[tilespmem:$0x10080] =	vst v63  }
0x77: {  	_ =	swait.ge [sflag:s8], $0x40  }
0x78: {  	[sflag:s8] =	ssyncset.done $0x0  }
0x79: {  	[sflag:s8] =	ssyncadd.s32 $0xFFFFFFC0  }
0x7a: {  	v3 =	vld [tilespmem:$0x0];
	_ =	sdelay $0x4  }
0x7b: {  	v60 =	vshll.u32 v3, $0x3  }
0x7c: {  	v3 =	vand.u32 $0x7, v3;
	v4 =	vand.u32 $0xFFFFFFC0, v60  }
0x7d: {  	v3 =	vor.u32 v3, v4  }
0x7e: {  	v4 =	vperm.xlane v3, v0;
	_ =	sdelay $0x1  }
0x7f: {  	v4 =	vadd.s32 v1, v4;
	_ =	sdelay $0x4  }
0x80: {  	[tilespmem:s0], [sflag:$0x1] =	stream.indirect_vreg.gather [hbm4b:s3+s2], $0x80, v4, vm0, $0xb8;
	[tilespmem:$0x10080] =	vst v63  }
0x81: {  	v3 =	vperm.xlane v3, v2  }
0x82: {  	[tilespmem:s20], [sflag:$0x1] =	stream.indirect_vreg.gather [hbm4b:s4+s2], $0x80, v4, vm0, $0xb8;
	[tilespmem:$0x10080] =	vst v63  }
0x83: {  	v3 =	vadd.s32 v1, v3  }
0x84: {  	[tilespmem:s21], [sflag:$0x1] =	stream.indirect_vreg.gather [hbm4b:s5+s2], $0x80, v4, vm0, $0xb8;
	[tilespmem:$0x10080] =	vst v63  }
0x85: {  	_ = 	snop  }
0x86: {  	[tilespmem:s22], [sflag:$0x1] =	stream.indirect_vreg.gather [hbm4b:s6+s2], $0x80, v4, vm0, $0xb8;
	[tilespmem:$0x10080] =	vst v63  }
0x87: {  	_ = 	snop  }
0x88: {  	[tilespmem:s23], [sflag:$0x1] =	stream.indirect_vreg.gather [hbm4b:s3+s2], $0x80, v3, vm0, $0xb8;
	[tilespmem:$0x10080] =	vst v63  }
0x89: {  	_ = 	snop  }
0x8a: {  	[tilespmem:s24], [sflag:$0x1] =	stream.indirect_vreg.gather [hbm4b:s4+s2], $0x80, v3, vm0, $0xb8;
	[tilespmem:$0x10080] =	vst v63  }
0x8b: {  	_ = 	snop  }
0x8c: {  	[tilespmem:s25], [sflag:$0x1] =	stream.indirect_vreg.gather [hbm4b:s5+s2], $0x80, v3, vm0, $0xb8;
	[tilespmem:$0x10080] =	vst v63  }
0x8d: {  	_ = 	snop  }
0x8e: {  	[tilespmem:s26], [sflag:$0x1] =	stream.indirect_vreg.gather [hbm4b:s6+s2], $0x80, v3, vm0, $0xb8;
	[tilespmem:$0x10080] =	vst v63  }
0x8f: {  	v3 =	vld [tilespmem:$0x10];
	_ =	sdelay $0x4  }
0x90: {  	v61 =	vshll.u32 v3, $0x3  }
0x91: {  	v3 =	vand.u32 $0x7, v3;
	v4 =	vand.u32 $0xFFFFFFC0, v61  }
0x92: {  	v3 =	vor.u32 v3, v4  }
0x93: {  	v4 =	vperm.xlane v3, v0;
	_ =	sdelay $0x1  }
0x94: {  	v4 =	vadd.s32 v1, v4;
	_ =	sdelay $0x4  }
0x95: {  	[tilespmem:s28], [sflag:$0x1] =	stream.indirect_vreg.gather [hbm4b:s3+s2], $0x80, v4, vm0, $0xb8;
	[tilespmem:$0x10080] =	vst v63  }
0x96: {  	v3 =	vperm.xlane v3, v2  }
0x97: {  	[tilespmem:s29], [sflag:$0x1] =	stream.indirect_vreg.gather [hbm4b:s4+s2], $0x80, v4, vm0, $0xb8;
	[tilespmem:$0x10080] =	vst v63  }
0x98: {  	v3 =	vadd.s32 v1, v3  }
0x99: {  	[tilespmem:s30], [sflag:$0x1] =	stream.indirect_vreg.gather [hbm4b:s5+s2], $0x80, v4, vm0, $0xb8;
	[tilespmem:$0x10080] =	vst v63  }
0x9a: {  	_ = 	snop  }
0x9b: {  	[tilespmem:s31], [sflag:$0x1] =	stream.indirect_vreg.gather [hbm4b:s6+s2], $0x80, v4, vm0, $0xb8;
	[tilespmem:$0x10080] =	vst v63  }
0x9c: {  	s19 =	simm.s32 $0x6080  }
0x9d: {  	[tilespmem:s19], [sflag:$0x1] =	stream.indirect_vreg.gather [hbm4b:s3+s2], $0x80, v3, vm0, $0xb8;
	[tilespmem:$0x10080] =	vst v63  }
0x9e: {  	_ = 	snop  }
0x9f: {  	[tilespmem:s1], [sflag:$0x1] =	stream.indirect_vreg.gather [hbm4b:s4+s2], $0x80, v3, vm0, $0xb8;
	[tilespmem:$0x10080] =	vst v63  }
0xa0: {  	_ = 	snop  }
0xa1: {  	[tilespmem:s10], [sflag:$0x1] =	stream.indirect_vreg.gather [hbm4b:s5+s2], $0x80, v3, vm0, $0xb8;
	[tilespmem:$0x10080] =	vst v63  }
0xa2: {  	_ = 	snop  }
0xa3: {  	[tilespmem:s11], [sflag:$0x1] =	stream.indirect_vreg.gather [hbm4b:s6+s2], $0x80, v3, vm0, $0xb8;
	[tilespmem:$0x10080] =	vst v63  }
0xa4: {  	v3 =	vld [tilespmem:$0x20];
	_ =	sdelay $0x4  }
0xa5: {  	v62 =	vshll.u32 v3, $0x3  }
0xa6: {  	v3 =	vand.u32 $0x7, v3;
	v4 =	vand.u32 $0xFFFFFFC0, v62  }
0xa7: {  	v3 =	vor.u32 v3, v4  }
0xa8: {  	v4 =	vperm.xlane v3, v0;
	_ =	sdelay $0x1  }
0xa9: {  	v4 =	vadd.s32 v1, v4;
	_ =	sdelay $0x4  }
0xaa: {  	[tilespmem:s12], [sflag:$0x1] =	stream.indirect_vreg.gather [hbm4b:s3+s2], $0x80, v4, vm0, $0xb8;
	[tilespmem:$0x10080] =	vst v63  }
0xab: {  	v3 =	vperm.xlane v3, v2  }
0xac: {  	[tilespmem:s13], [sflag:$0x1] =	stream.indirect_vreg.gather [hbm4b:s4+s2], $0x80, v4, vm0, $0xb8;
	[tilespmem:$0x10080] =	vst v63  }
0xad: {  	v3 =	vadd.s32 v1, v3  }
0xae: {  	[tilespmem:s14], [sflag:$0x1] =	stream.indirect_vreg.gather [hbm4b:s5+s2], $0x80, v4, vm0, $0xb8;
	[tilespmem:$0x10080] =	vst v63  }
0xaf: {  	_ = 	snop  }
0xb0: {  	[tilespmem:s15], [sflag:$0x1] =	stream.indirect_vreg.gather [hbm4b:s6+s2], $0x80, v4, vm0, $0xb8;
	[tilespmem:$0x10080] =	vst v63  }
0xb1: {  	_ = 	snop  }
0xb2: {  	[tilespmem:s16], [sflag:$0x1] =	stream.indirect_vreg.gather [hbm4b:s3+s2], $0x80, v3, vm0, $0xb8;
	[tilespmem:$0x10080] =	vst v63  }
0xb3: {  	_ = 	snop  }
0xb4: {  	[tilespmem:s17], [sflag:$0x1] =	stream.indirect_vreg.gather [hbm4b:s4+s2], $0x80, v3, vm0, $0xb8;
	[tilespmem:$0x10080] =	vst v63  }
0xb5: {  	_ = 	snop  }
0xb6: {  	[tilespmem:s9], [sflag:$0x1] =	stream.indirect_vreg.gather [hbm4b:s5+s2], $0x80, v3, vm0, $0xb8;
	[tilespmem:$0x10080] =	vst v63  }
0xb7: {  	s19 =	simm.s32 $0xB880  }
0xb8: {  	[tilespmem:s19], [sflag:$0x1] =	stream.indirect_vreg.gather [hbm4b:s6+s2], $0x80, v3, vm0, $0xb8;
	[tilespmem:$0x10080] =	vst v63  }
0xb9: {  	v3 =	vld [tilespmem:$0x30];
	_ =	sdelay $0x4  }
0xba: {  	v63 =	vshll.u32 v3, $0x3  }
0xbb: {  	v3 =	vand.u32 $0x7, v3;
	v4 =	vand.u32 $0xFFFFFFC0, v63  }
0xbc: {  	v3 =	vor.u32 v3, v4  }
0xbd: {  	v4 =	vperm.xlane v3, v0;
	_ =	sdelay $0x1  }
0xbe: {  	v4 =	vadd.s32 v1, v4;
	_ =	sdelay $0x3  }
0xbf: {  	s19 =	simm.s32 $0xC080  }
0xc0: {  	[tilespmem:s19], [sflag:$0x1] =	stream.indirect_vreg.gather [hbm4b:s3+s2], $0x80, v4, vm0, $0xb8;
	[tilespmem:$0x10080] =	vst v63  }
0xc1: {  	v3 =	vperm.xlane v3, v2;
	s19 =	simm.s32 $0xC880  }
0xc2: {  	[tilespmem:s19], [sflag:$0x1] =	stream.indirect_vreg.gather [hbm4b:s4+s2], $0x80, v4, vm0, $0xb8;
	[tilespmem:$0x10080] =	vst v63  }
0xc3: {  	v3 =	vadd.s32 v1, v3;
	s19 =	simm.s32 $0xD080  }
0xc4: {  	[tilespmem:s19], [sflag:$0x1] =	stream.indirect_vreg.gather [hbm4b:s5+s2], $0x80, v4, vm0, $0xb8;
	[tilespmem:$0x10080] =	vst v63  }
0xc5: {  	s19 =	simm.s32 $0xD880  }
0xc6: {  	[tilespmem:s19], [sflag:$0x1] =	stream.indirect_vreg.gather [hbm4b:s6+s2], $0x80, v4, vm0, $0xb8;
	[tilespmem:$0x10080] =	vst v63  }
0xc7: {  	s19 =	simm.s32 $0xE080  }
0xc8: {  	[tilespmem:s19], [sflag:$0x1] =	stream.indirect_vreg.gather [hbm4b:s3+s2], $0x80, v3, vm0, $0xb8;
	[tilespmem:$0x10080] =	vst v63  }
0xc9: {  	s19 =	simm.s32 $0xE880  }
0xca: {  	[tilespmem:s19], [sflag:$0x1] =	stream.indirect_vreg.gather [hbm4b:s4+s2], $0x80, v3, vm0, $0xb8;
	[tilespmem:$0x10080] =	vst v63  }
0xcb: {  	s19 =	simm.s32 $0xF080  }
0xcc: {  	[tilespmem:s19], [sflag:$0x1] =	stream.indirect_vreg.gather [hbm4b:s5+s2], $0x80, v3, vm0, $0xb8;
	[tilespmem:$0x10080] =	vst v63  }
0xcd: {  	s19 =	simm.s32 $0xF880  }
0xce: {  	[tilespmem:s19], [sflag:$0x1] =	stream.indirect_vreg.gather [hbm4b:s6+s2], $0x80, v3, vm0, $0xb8;
	[tilespmem:$0x10080] =	vst v63  }
0xcf: {  	_ =	swait.ge [sflag:s18], $0x10000  }
0xd0: {  	p0 =	sne.s32 s7, $0x1;
	[sflag:s18] =	ssyncset.done $0x0  }
.Ltmp0:
0xd1: {  	s1 =	rddreg [dreg:$0x6];
	[sflag:s18] =	ssyncadd.s32 $0xFFFF0000;
	(pc) =	sbr.rel @p0 .LBB2_1-.Ltmp0, $4  }
0xd2: {  	[hbm4b:s1+s2] =	stream.linear.scatter [tilespmem:s0], [sflag:$0x2], $0x10000, $0x38;
	[tilespmem:$0x10080] =	vst v63  }
0xd3: {  	_ =	swait.ge [sflag:s8], $0x10000  }
0xd4: {  	[sflag:s8] =	ssyncset.done $0x0  }
0xd5: {  	s7 =	sadd.s32 $0xFFFFFFFF, s7;
	[sflag:s8] =	ssyncadd.s32 $0xFFFF0000  }
0xd6: {  	_ =	sfence.sel $0x180000  }
0xd7: {  	[bflag:$0x0] =	sbarrier.arrive $0xFFFF  }
0xd8: {  	_ =	strace $0x9000004A  }
0xd9: {  	s0 =	stileid.u32;
	[bflag:$0x2] =	sbarrier.arrive $0xFFFF  }
0xda: {  	p0 =	sne.s32 s0, $0x0;
	s0 =	rddreg [dreg:$0x2]  }
0xdb: {  	s0 =	sadd.s32 @!p0 $0x100000, s0  }
0xdc: {  	[sflag:s0] =	ssyncadd.tile.s32 @!p0 $0x1;
	_ =	shalt  }
.Lfunc_end2:
_tile_overlayer_lowered:
.L_overlay_start_2:
0xdd: {  	(tag) =	ssettag $0x2  }
0xde: {  	s0 =	rddreg [dreg:$0x0];
	s2 =	stileid.u32  }
0xdf: {  	s1 =	rddreg [dreg:$0x1];
	p0 =	sne.s32 s2, $0x0  }
0xe0: {  	s3 =	rddreg [dreg:$0x2];
	[bflag:$0x3] =	sbarrier.arrive $0xFFFF;
	s2 =	simm.s32 @!p0 $0x1C02  }
0xe1: {  	[timem:s3], [sflag:s2] =	dma.local @!p0 [hbm:s0], s1  }
0xe2: {  	s0 =	simm.s32 @!p0 $0x2  }
0xe3: {  	_ =	swait.ge @!p0 [sflag:s0], s1  }
0xe4: {  	s1 =	ssub.s32 @!p0 $0x0, s1;
	[sflag:s0] =	ssyncset.done @!p0 $0x0  }
0xe5: {  	[sflag:s0] =	ssyncadd.s32 @!p0 s1  }
0xe6: {  	[bflag:$0x3] =	sbarrier.arrive $0xFFFF  }
0xe7: {  	_ =	shalt  }

</sc_bundles>
